<compile_context>
chip_gen: v7x
topology: tpu7x:2x2x1
jax: 0.10.2.dev20260603
libtpu: 0.0.44.dev20260713+nightly
codegen_flags: <defaults>
</compile_context>

<pallas_src>
import functools

import numpy as np

import jax
import jax.numpy as jnp
from jax import lax
from jax.experimental import pallas as pl
from jax.experimental.pallas import tpu as pltpu
from jax.experimental.pallas import tpu_sc as plsc

_NCORE = 2
_NSUB = 16
_NW = _NCORE * _NSUB
_CHUNK = 128
_L = 128
_I0 = np.int32(0)


def _sc_segment_sum(src, dst, table, zeros, ones, n_pad, n_chunks, gather):
    rows_per_sub = n_pad // _NSUB
    mesh = plsc.VectorSubcoreMesh(core_axis_name="c", subcore_axis_name="s")

    scratch = [
        pltpu.VMEM((_CHUNK,), jnp.int32),
        pltpu.VMEM((_CHUNK,), jnp.int32),
        pltpu.VMEM((_CHUNK, _L), jnp.float32),
        pltpu.VMEM_SHARED((n_pad, _L), jnp.float32),
        pltpu.SemaphoreType.DMA,
    ]

    @functools.partial(
        pl.kernel,
        out_type=jax.ShapeDtypeStruct((_NCORE, n_pad, _L), jnp.float32),
        mesh=mesh,
        scratch_types=scratch,
    )
    def body(src_hbm, dst_hbm, table_hbm, zeros_hbm, ones_hbm, out_hbm,
             src_v, dst_v, rows_v, acc_sh, sem):
        cid = lax.axis_index("c")
        sid = lax.axis_index("s")
        wid = sid * jnp.int32(_NCORE) + cid
        r0 = sid * jnp.int32(rows_per_sub)
        pltpu.sync_copy(zeros_hbm.at[pl.ds(r0, rows_per_sub)],
                        acc_sh.at[pl.ds(r0, rows_per_sub)])
        if not gather:
            pltpu.sync_copy(ones_hbm, rows_v)
        plsc.subcore_barrier()
        base = wid * jnp.int32(n_chunks * _CHUNK)

        def step(j, carry):
            off = base + j * jnp.int32(_CHUNK)
            pltpu.sync_copy(dst_hbm.at[pl.ds(off, _CHUNK)], dst_v)
            if gather:
                pltpu.sync_copy(src_hbm.at[pl.ds(off, _CHUNK)], src_v)
                pltpu.async_copy(table_hbm.at[src_v], rows_v, sem).wait()
            pltpu.sync_copy(rows_v, acc_sh.at[dst_v], add=True)
            return carry

        lax.fori_loop(jnp.int32(0), jnp.int32(n_chunks), step, jnp.int32(0))
        plsc.subcore_barrier()
        pltpu.sync_copy(acc_sh.at[pl.ds(r0, rows_per_sub)],
                        out_hbm.at[cid, pl.ds(r0, rows_per_sub)])

    return body(src, dst, table, zeros, ones)


def _encoder_tc(x, w, deg_partials):
    n, d = x.shape
    c = w.shape[1]
    bm = 1000

    def body(x_ref, w_ref, dp_ref, y_ref, norm_ref):
        xw = lax.dot_general(x_ref[...], w_ref[...],
                             (((1,), (0,)), ((), ())),
                             preferred_element_type=jnp.float32)
        cnt = dp_ref[0, :, :c] + dp_ref[1, :, :c]
        norm = lax.rsqrt(cnt + 1.0)
        norm_ref[...] = norm
        y_ref[...] = jnp.pad(norm * xw, ((0, 0), (0, _L - c)))

    return pl.pallas_call(
        body,
        grid=(n // bm,),
        in_specs=[
            pl.BlockSpec((bm, d), lambda i: (i, _I0)),
            pl.BlockSpec((d, c), lambda i: (_I0, _I0)),
            pl.BlockSpec((2, bm, _L), lambda i: (_I0, i, _I0)),
        ],
        out_specs=[
            pl.BlockSpec((bm, _L), lambda i: (i, _I0)),
            pl.BlockSpec((bm, c), lambda i: (i, _I0)),
        ],
        out_shape=[
            jax.ShapeDtypeStruct((n, _L), jnp.float32),
            jax.ShapeDtypeStruct((n, c), jnp.float32),
        ],
    )(x, w, deg_partials)


def _decoder_tc(s_partials, y, norm):
    n, c = norm.shape
    n_pad = s_partials.shape[1]
    bm = 200

    def body(s_ref, y_ref, norm_ref, out_ref, h_ref):
        i = pl.program_id(0)

        @pl.when(i == 0)
        def _():
            s = s_ref[0, :n, :c] + s_ref[1, :n, :c]
            h_ref[...] = jnp.maximum(
                norm_ref[...] * (s + y_ref[:, :c]), 0.0)

        hm = h_ref[pl.ds(i * bm, bm), :]
        z = lax.dot_general(hm, h_ref[...], (((1,), (1,)), ((), ())),
                            preferred_element_type=jnp.float32)
        out_ref[...] = 0.5 * jnp.tanh(0.5 * z) + 0.5

    return pl.pallas_call(
        body,
        grid=(n // bm,),
        in_specs=[
            pl.BlockSpec((2, n_pad, _L), lambda i: (_I0, _I0, _I0)),
            pl.BlockSpec((n, _L), lambda i: (_I0, _I0)),
            pl.BlockSpec((n, c), lambda i: (_I0, _I0)),
        ],
        out_specs=pl.BlockSpec((bm, n), lambda i: (i, _I0)),
        out_shape=jax.ShapeDtypeStruct((n, n), jnp.float32),
        scratch_shapes=[pltpu.VMEM((n, c), jnp.float32)],
    )(s_partials, y, norm)


def kernel(x, edge_index, W):
    n, _ = x.shape
    c = W.shape[1]
    e = edge_index.shape[1]
    ei = edge_index.astype(jnp.int32)

    e_per_w = -(-e // _NW)
    n_chunks = -(-e_per_w // _CHUNK)
    e_pad = _NW * n_chunks * _CHUNK
    pad = e_pad - e

    n_pad = -(-(n + 1) // (_NSUB * 8)) * (_NSUB * 8)
    pad_idx = n + (jnp.arange(pad, dtype=jnp.int32) % (n_pad - n))
    src = jnp.concatenate([ei[0], pad_idx])
    dst = jnp.concatenate([ei[1], pad_idx])

    zeros = jnp.zeros((n_pad, _L), jnp.float32)
    ones = jnp.ones((_CHUNK, _L), jnp.float32)

    deg_part = _sc_segment_sum(src, dst, zeros, zeros, ones,
                               n_pad, n_chunks, gather=False)
    y, norm = _encoder_tc(x.astype(jnp.float32), W.astype(jnp.float32),
                          deg_part)
    y_pad = jnp.concatenate([y, jnp.zeros((n_pad - n, _L), jnp.float32)])
    s_part = _sc_segment_sum(src, dst, y_pad, zeros, ones,
                             n_pad, n_chunks, gather=True)
    return _decoder_tc(s_part, y, norm).astype(jnp.float64)

# --- scband reference (transcript-rebuilt; emitter-appended) ---
"""Pipeline reference for scband-gae-30150670418464 (READ-ONLY COPY).

The authoritative reference and input builder live on the scoring server;
editing this copy changes nothing except your own understanding.
"""

import jax, jax.numpy as jnp
import numpy as np
from jax import config
config.update('jax_enable_x64', True)

N_NODES = 10000
N_EDGES = 160000
IN_DIM = 256
N_CLUSTERS = 16


def setup_inputs(seed: int = 0) -> dict:
    key = jax.random.key(seed)
    k1, k2, k3 = jax.random.split(key, 3)
    x = jax.random.normal(k1, (N_NODES, IN_DIM), dtype=jnp.float32)
    edge_index = jax.random.randint(k2, (2, N_EDGES), 0, N_NODES, dtype=jnp.int64)
    # GCN encoder weight (in_dim -> n_clusters), Glorot-style scale
    W = jax.random.normal(k3, (IN_DIM, N_CLUSTERS), dtype=jnp.float32) * (1.0 / np.sqrt(IN_DIM))
    return {"x": x, "edge_index": edge_index, "W": W}


def reference(x, edge_index, W):
    """GAE forward: single-layer GCN encoder (sym-norm, self-loops, relu)
    followed by InnerProductDecoder (sigmoid(h @ h.T))."""
    n = x.shape[0]
    src = edge_index[0]
    dst = edge_index[1]
    # add self-loops (standard GCN normalization A_hat = A + I)
    loop = jnp.arange(n, dtype=edge_index.dtype)
    src = jnp.concatenate([src, loop])
    dst = jnp.concatenate([dst, loop])
    # symmetric degree normalization D_hat^{-1/2} A_hat D_hat^{-1/2}
    deg = jax.ops.segment_sum(jnp.ones(src.shape[0], dtype=x.dtype), dst, num_segments=n)
    norm = jax.lax.rsqrt(jnp.maximum(deg, 1.0))
    xw = x @ W  # [N, C]
    coeff = (norm[src] * norm[dst])[:, None]
    h = jax.ops.segment_sum(coeff * jnp.take(xw, src, axis=0), dst, num_segments=n)
    h = jax.nn.relu(h)  # encoder activation
    # InnerProductDecoder: sigmoid(h h^T) -> reconstructed adjacency
    adj_rec = jax.nn.sigmoid(h @ h.T)
    return adj_rec

if __name__ == "__main__":
    import jax
    _d = setup_inputs()
    print(jax.jit(kernel)(*tuple(_d.values())))

</pallas_src>

<mosaic_0001>
#map = affine_map<(d0, d1) -> (0)>
#map1 = affine_map<(d0, d1) -> (0, 0)>
#map2 = affine_map<(d0, d1) -> (0, 0, 0)>
module attributes {stable_mosaic.version = 14 : i64} {
  func.func @body(%arg0: i32, %arg1: i32, %arg2: memref<163840xi32, #tpu.memory_space<hbm>>, %arg3: memref<163840xi32, #tpu.memory_space<hbm>>, %arg4: memref<10112x128xf32, #tpu.memory_space<hbm>>, %arg5: memref<10112x128xf32, #tpu.memory_space<hbm>>, %arg6: memref<128x128xf32, #tpu.memory_space<hbm>>, %arg7: memref<2x10112x128xf32, #tpu.memory_space<hbm>>, %arg8: memref<128xi32, #tpu.memory_space<vmem>>, %arg9: memref<128xi32, #tpu.memory_space<vmem>>, %arg10: memref<128x128xf32, #tpu.memory_space<vmem>>, %arg11: memref<10112x128xf32, #tpu.memory_space<vmem_shared>>, %arg12: memref<!tpu.dma_semaphore, #tpu.memory_space<semaphore_mem>>) attributes {dimension_semantics = [#tpu.dimension_semantics<core_parallel>, #tpu.dimension_semantics<subcore_parallel>], iteration_bounds = array<i64: 2, 16>, scalar_prefetch = 0 : i64, scratch_operands = 5 : i64, tpu.core_type = #tpu.core_type<sc_vector_subcore>, window_params = [{transform_indices = #map}, {transform_indices = #map}, {transform_indices = #map1}, {transform_indices = #map1}, {transform_indices = #map1}, {transform_indices = #map2}]} {
    %mul3A = arith.constant 2 : i32
    %mul3A_0 = arith.muli %arg1, %mul3A : i32
    %add3A = arith.addi %mul3A_0, %arg0 : i32
    %mul3A_1 = arith.constant 632 : i32
    %mul3A_2 = arith.muli %arg1, %mul3A_1 : i32
    "tpu.region"() ({
      %run_scoped3A = tpu.sem_alloc : memref<!tpu.dma_semaphore, #tpu.memory_space<semaphore_mem>>
      %dma_start3A = arith.constant 0 : i32
      %dma_start3A_16 = tpu.memref_slice %arg11[%mul3A_2, %dma_start3A] : memref<10112x128xf32, #tpu.memory_space<vmem_shared>> -> memref<632x128xf32, #tpu.memory_space<vmem_shared>>
      %dma_start3A_17 = arith.constant 0 : i32
      %dma_start3A_18 = tpu.memref_slice %arg5[%mul3A_2, %dma_start3A_17] : memref<10112x128xf32, #tpu.memory_space<hbm>> -> memref<632x128xf32, #tpu.memory_space<hbm>>
      tpu.enqueue_dma source(%dma_start3A_18 : memref<632x128xf32, #tpu.memory_space<hbm>>) target(%dma_start3A_16 : memref<632x128xf32, #tpu.memory_space<vmem_shared>>) target_semaphore(%run_scoped3A : memref<!tpu.dma_semaphore, #tpu.memory_space<semaphore_mem>>)
      %dma_wait3A = arith.constant 0 : i32
      %dma_wait3A_19 = tpu.memref_slice %arg11[%mul3A_2, %dma_wait3A] : memref<10112x128xf32, #tpu.memory_space<vmem_shared>> -> memref<632x128xf32, #tpu.memory_space<vmem_shared>>
      %dma_wait3A_20 = arith.constant 0 : i32
      %dma_wait3A_21 = tpu.memref_slice %arg5[%mul3A_2, %dma_wait3A_20] : memref<10112x128xf32, #tpu.memory_space<hbm>> -> memref<632x128xf32, #tpu.memory_space<hbm>>
      tpu.wait_dma2 semaphore(%run_scoped3A : memref<!tpu.dma_semaphore, #tpu.memory_space<semaphore_mem>>) src(%dma_wait3A_21 : memref<632x128xf32, #tpu.memory_space<hbm>>) dst(%dma_wait3A_19 : memref<632x128xf32, #tpu.memory_space<vmem_shared>>)
      tpu.yield
    }) : () -> ()
    %barrier3A = arith.constant 0 : index
    tpu.barrier barrier_id(%barrier3A)
    %mul3A_3 = arith.constant 5120 : i32
    %mul3A_4 = arith.muli %add3A, %mul3A_3 : i32
    %while3A = arith.constant 0 : i32
    %while3A_5 = arith.constant 0 : i32
    %while3A_6 = arith.constant 40 : i32
    %while3A_7 = arith.subi %while3A_6, %while3A_5 : i32
    %while3A_8 = arith.addi %while3A_5, %while3A_7 : i32
    %while3A_9 = arith.constant 1 : i32
    %while3A_10 = arith.divsi %while3A_7, %while3A_9 : i32
    %while3A_11 = arith.muli %while3A_10, %while3A_9 : i32
    %while3A_12 = arith.addi %while3A_5, %while3A_11 : i32
    %while3A_13 = arith.constant 1 : i32
    scf.for %while3A_16 = %while3A_5 to %while3A_12 step %while3A_13  : i32 {
      %mul3A_17 = arith.constant 128 : i32
      %mul3A_18 = arith.muli %while3A_16, %mul3A_17 : i32
      %add3A_19 = arith.addi %mul3A_4, %mul3A_18 : i32
      "tpu.region"() ({
        %run_scoped3A = tpu.sem_alloc : memref<!tpu.dma_semaphore, #tpu.memory_space<semaphore_mem>>
        %dma_start3A_24 = tpu.memref_slice %arg3[%add3A_19] : memref<163840xi32, #tpu.memory_space<hbm>> -> memref<128xi32, #tpu.memory_space<hbm>>
        %dma_start3A_25 = tpu.memref_slice %arg3[%add3A_19] : memref<163840xi32, #tpu.memory_space<hbm>> -> memref<128xi32, #tpu.memory_space<hbm>>
        tpu.enqueue_dma source(%dma_start3A_25 : memref<128xi32, #tpu.memory_space<hbm>>) target(%arg9 : memref<128xi32, #tpu.memory_space<vmem>>) target_semaphore(%run_scoped3A : memref<!tpu.dma_semaphore, #tpu.memory_space<semaphore_mem>>)
        %dma_wait3A_26 = tpu.memref_slice %arg3[%add3A_19] : memref<163840xi32, #tpu.memory_space<hbm>> -> memref<128xi32, #tpu.memory_space<hbm>>
        %dma_wait3A_27 = tpu.memref_slice %arg3[%add3A_19] : memref<163840xi32, #tpu.memory_space<hbm>> -> memref<128xi32, #tpu.memory_space<hbm>>
        tpu.wait_dma2 semaphore(%run_scoped3A : memref<!tpu.dma_semaphore, #tpu.memory_space<semaphore_mem>>) src(%dma_wait3A_27 : memref<128xi32, #tpu.memory_space<hbm>>) dst(%arg9 : memref<128xi32, #tpu.memory_space<vmem>>)
        tpu.yield
      }) : () -> ()
      "tpu.region"() ({
        %run_scoped3A = tpu.sem_alloc : memref<!tpu.dma_semaphore, #tpu.memory_space<semaphore_mem>>
        %dma_start3A_24 = tpu.memref_slice %arg2[%add3A_19] : memref<163840xi32, #tpu.memory_space<hbm>> -> memref<128xi32, #tpu.memory_space<hbm>>
        %dma_start3A_25 = tpu.memref_slice %arg2[%add3A_19] : memref<163840xi32, #tpu.memory_space<hbm>> -> memref<128xi32, #tpu.memory_space<hbm>>
        tpu.enqueue_dma source(%dma_start3A_25 : memref<128xi32, #tpu.memory_space<hbm>>) target(%arg8 : memref<128xi32, #tpu.memory_space<vmem>>) target_semaphore(%run_scoped3A : memref<!tpu.dma_semaphore, #tpu.memory_space<semaphore_mem>>)
        %dma_wait3A_26 = tpu.memref_slice %arg2[%add3A_19] : memref<163840xi32, #tpu.memory_space<hbm>> -> memref<128xi32, #tpu.memory_space<hbm>>
        %dma_wait3A_27 = tpu.memref_slice %arg2[%add3A_19] : memref<163840xi32, #tpu.memory_space<hbm>> -> memref<128xi32, #tpu.memory_space<hbm>>
        tpu.wait_dma2 semaphore(%run_scoped3A : memref<!tpu.dma_semaphore, #tpu.memory_space<semaphore_mem>>) src(%dma_wait3A_27 : memref<128xi32, #tpu.memory_space<hbm>>) dst(%arg8 : memref<128xi32, #tpu.memory_space<vmem>>)
        tpu.yield
      }) : () -> ()
      %dma_start3A = arith.constant 0 : i32
      %dma_start3A_20 = arith.constant 0 : i32
      %dma_start3A_21 = tpu.memref_slice %arg4[%dma_start3A, %dma_start3A_20] : memref<10112x128xf32, #tpu.memory_space<hbm>> -> memref<10112x128xf32, #tpu.memory_space<hbm>>
      tpu.enqueue_indirect_dma source(%dma_start3A_21 : memref<10112x128xf32, #tpu.memory_space<hbm>>) target(%arg10 : memref<128x128xf32, #tpu.memory_space<vmem>>) offsets(%arg8 : memref<128xi32, #tpu.memory_space<vmem>>) semaphore(%arg12 : memref<!tpu.dma_semaphore, #tpu.memory_space<semaphore_mem>>)
      %dma_wait3A = arith.constant 0 : i32
      %dma_wait3A_22 = arith.constant 0 : i32
      %dma_wait3A_23 = tpu.memref_slice %arg4[%dma_wait3A, %dma_wait3A_22] : memref<10112x128xf32, #tpu.memory_space<hbm>> -> memref<10112x128xf32, #tpu.memory_space<hbm>>
      tpu.wait_indirect_dma semaphore(%arg12 : memref<!tpu.dma_semaphore, #tpu.memory_space<semaphore_mem>>) src(%dma_wait3A_23 : memref<10112x128xf32, #tpu.memory_space<hbm>>) dst(%arg10 : memref<128x128xf32, #tpu.memory_space<vmem>>)
      "tpu.region"() ({
        %run_scoped3A = tpu.sem_alloc : memref<!tpu.dma_semaphore, #tpu.memory_space<semaphore_mem>>
        %dma_start3A_24 = arith.constant 0 : i32
        %dma_start3A_25 = arith.constant 0 : i32
        %dma_start3A_26 = tpu.memref_slice %arg11[%dma_start3A_24, %dma_start3A_25] : memref<10112x128xf32, #tpu.memory_space<vmem_shared>> -> memref<10112x128xf32, #tpu.memory_space<vmem_shared>>
        tpu.enqueue_indirect_dma source(%arg10 : memref<128x128xf32, #tpu.memory_space<vmem>>) target(%dma_start3A_26 : memref<10112x128xf32, #tpu.memory_space<vmem_shared>>) offsets(%arg9 : memref<128xi32, #tpu.memory_space<vmem>>) semaphore(%run_scoped3A : memref<!tpu.dma_semaphore, #tpu.memory_space<semaphore_mem>>) {add = true}
        %dma_wait3A_27 = arith.constant 0 : i32
        %dma_wait3A_28 = arith.constant 0 : i32
        %dma_wait3A_29 = tpu.memref_slice %arg11[%dma_wait3A_27, %dma_wait3A_28] : memref<10112x128xf32, #tpu.memory_space<vmem_shared>> -> memref<10112x128xf32, #tpu.memory_space<vmem_shared>>
        tpu.wait_indirect_dma semaphore(%run_scoped3A : memref<!tpu.dma_semaphore, #tpu.memory_space<semaphore_mem>>) src(%arg10 : memref<128x128xf32, #tpu.memory_space<vmem>>) dst(%dma_wait3A_29 : memref<10112x128xf32, #tpu.memory_space<vmem_shared>>)
        tpu.yield
      }) : () -> ()
    }
    %while3A_14 = arith.constant 1 : i32
    scf.for %while3A_16 = %while3A_12 to %while3A_8 step %while3A_14  : i32 {
      %mul3A_17 = arith.constant 128 : i32
      %mul3A_18 = arith.muli %while3A_16, %mul3A_17 : i32
      %add3A_19 = arith.addi %mul3A_4, %mul3A_18 : i32
      "tpu.region"() ({
        %run_scoped3A = tpu.sem_alloc : memref<!tpu.dma_semaphore, #tpu.memory_space<semaphore_mem>>
        %dma_start3A_24 = tpu.memref_slice %arg3[%add3A_19] : memref<163840xi32, #tpu.memory_space<hbm>> -> memref<128xi32, #tpu.memory_space<hbm>>
        %dma_start3A_25 = tpu.memref_slice %arg3[%add3A_19] : memref<163840xi32, #tpu.memory_space<hbm>> -> memref<128xi32, #tpu.memory_space<hbm>>
        tpu.enqueue_dma source(%dma_start3A_25 : memref<128xi32, #tpu.memory_space<hbm>>) target(%arg9 : memref<128xi32, #tpu.memory_space<vmem>>) target_semaphore(%run_scoped3A : memref<!tpu.dma_semaphore, #tpu.memory_space<semaphore_mem>>)
        %dma_wait3A_26 = tpu.memref_slice %arg3[%add3A_19] : memref<163840xi32, #tpu.memory_space<hbm>> -> memref<128xi32, #tpu.memory_space<hbm>>
        %dma_wait3A_27 = tpu.memref_slice %arg3[%add3A_19] : memref<163840xi32, #tpu.memory_space<hbm>> -> memref<128xi32, #tpu.memory_space<hbm>>
        tpu.wait_dma2 semaphore(%run_scoped3A : memref<!tpu.dma_semaphore, #tpu.memory_space<semaphore_mem>>) src(%dma_wait3A_27 : memref<128xi32, #tpu.memory_space<hbm>>) dst(%arg9 : memref<128xi32, #tpu.memory_space<vmem>>)
        tpu.yield
      }) : () -> ()
      "tpu.region"() ({
        %run_scoped3A = tpu.sem_alloc : memref<!tpu.dma_semaphore, #tpu.memory_space<semaphore_mem>>
        %dma_start3A_24 = tpu.memref_slice %arg2[%add3A_19] : memref<163840xi32, #tpu.memory_space<hbm>> -> memref<128xi32, #tpu.memory_space<hbm>>
        %dma_start3A_25 = tpu.memref_slice %arg2[%add3A_19] : memref<163840xi32, #tpu.memory_space<hbm>> -> memref<128xi32, #tpu.memory_space<hbm>>
        tpu.enqueue_dma source(%dma_start3A_25 : memref<128xi32, #tpu.memory_space<hbm>>) target(%arg8 : memref<128xi32, #tpu.memory_space<vmem>>) target_semaphore(%run_scoped3A : memref<!tpu.dma_semaphore, #tpu.memory_space<semaphore_mem>>)
        %dma_wait3A_26 = tpu.memref_slice %arg2[%add3A_19] : memref<163840xi32, #tpu.memory_space<hbm>> -> memref<128xi32, #tpu.memory_space<hbm>>
        %dma_wait3A_27 = tpu.memref_slice %arg2[%add3A_19] : memref<163840xi32, #tpu.memory_space<hbm>> -> memref<128xi32, #tpu.memory_space<hbm>>
        tpu.wait_dma2 semaphore(%run_scoped3A : memref<!tpu.dma_semaphore, #tpu.memory_space<semaphore_mem>>) src(%dma_wait3A_27 : memref<128xi32, #tpu.memory_space<hbm>>) dst(%arg8 : memref<128xi32, #tpu.memory_space<vmem>>)
        tpu.yield
      }) : () -> ()
      %dma_start3A = arith.constant 0 : i32
      %dma_start3A_20 = arith.constant 0 : i32
      %dma_start3A_21 = tpu.memref_slice %arg4[%dma_start3A, %dma_start3A_20] : memref<10112x128xf32, #tpu.memory_space<hbm>> -> memref<10112x128xf32, #tpu.memory_space<hbm>>
      tpu.enqueue_indirect_dma source(%dma_start3A_21 : memref<10112x128xf32, #tpu.memory_space<hbm>>) target(%arg10 : memref<128x128xf32, #tpu.memory_space<vmem>>) offsets(%arg8 : memref<128xi32, #tpu.memory_space<vmem>>) semaphore(%arg12 : memref<!tpu.dma_semaphore, #tpu.memory_space<semaphore_mem>>)
      %dma_wait3A = arith.constant 0 : i32
      %dma_wait3A_22 = arith.constant 0 : i32
      %dma_wait3A_23 = tpu.memref_slice %arg4[%dma_wait3A, %dma_wait3A_22] : memref<10112x128xf32, #tpu.memory_space<hbm>> -> memref<10112x128xf32, #tpu.memory_space<hbm>>
      tpu.wait_indirect_dma semaphore(%arg12 : memref<!tpu.dma_semaphore, #tpu.memory_space<semaphore_mem>>) src(%dma_wait3A_23 : memref<10112x128xf32, #tpu.memory_space<hbm>>) dst(%arg10 : memref<128x128xf32, #tpu.memory_space<vmem>>)
      "tpu.region"() ({
        %run_scoped3A = tpu.sem_alloc : memref<!tpu.dma_semaphore, #tpu.memory_space<semaphore_mem>>
        %dma_start3A_24 = arith.constant 0 : i32
        %dma_start3A_25 = arith.constant 0 : i32
        %dma_start3A_26 = tpu.memref_slice %arg11[%dma_start3A_24, %dma_start3A_25] : memref<10112x128xf32, #tpu.memory_space<vmem_shared>> -> memref<10112x128xf32, #tpu.memory_space<vmem_shared>>
        tpu.enqueue_indirect_dma source(%arg10 : memref<128x128xf32, #tpu.memory_space<vmem>>) target(%dma_start3A_26 : memref<10112x128xf32, #tpu.memory_space<vmem_shared>>) offsets(%arg9 : memref<128xi32, #tpu.memory_space<vmem>>) semaphore(%run_scoped3A : memref<!tpu.dma_semaphore, #tpu.memory_space<semaphore_mem>>) {add = true}
        %dma_wait3A_27 = arith.constant 0 : i32
        %dma_wait3A_28 = arith.constant 0 : i32
        %dma_wait3A_29 = tpu.memref_slice %arg11[%dma_wait3A_27, %dma_wait3A_28] : memref<10112x128xf32, #tpu.memory_space<vmem_shared>> -> memref<10112x128xf32, #tpu.memory_space<vmem_shared>>
        tpu.wait_indirect_dma semaphore(%run_scoped3A : memref<!tpu.dma_semaphore, #tpu.memory_space<semaphore_mem>>) src(%arg10 : memref<128x128xf32, #tpu.memory_space<vmem>>) dst(%dma_wait3A_29 : memref<10112x128xf32, #tpu.memory_space<vmem_shared>>)
        tpu.yield
      }) : () -> ()
    }
    %barrier3A_15 = arith.constant 0 : index
    tpu.barrier barrier_id(%barrier3A_15)
    "tpu.region"() ({
      %run_scoped3A = tpu.sem_alloc : memref<!tpu.dma_semaphore, #tpu.memory_space<semaphore_mem>>
      %dma_start3A = arith.constant 0 : i32
      %dma_start3A_16 = tpu.memref_slice %arg7[%arg0, %mul3A_2, %dma_start3A] : memref<2x10112x128xf32, #tpu.memory_space<hbm>> -> memref<1x632x128xf32, #tpu.memory_space<hbm>>
      %dma_start3A_17 = tpu.memref_squeeze %dma_start3A_16 : memref<1x632x128xf32, #tpu.memory_space<hbm>> -> memref<632x128xf32, #tpu.memory_space<hbm>>
      %dma_start3A_18 = arith.constant 0 : i32
      %dma_start3A_19 = tpu.memref_slice %arg11[%mul3A_2, %dma_start3A_18] : memref<10112x128xf32, #tpu.memory_space<vmem_shared>> -> memref<632x128xf32, #tpu.memory_space<vmem_shared>>
      tpu.enqueue_dma source(%dma_start3A_19 : memref<632x128xf32, #tpu.memory_space<vmem_shared>>) target(%dma_start3A_17 : memref<632x128xf32, #tpu.memory_space<hbm>>) target_semaphore(%run_scoped3A : memref<!tpu.dma_semaphore, #tpu.memory_space<semaphore_mem>>)
      %dma_wait3A = arith.constant 0 : i32
      %dma_wait3A_20 = tpu.memref_slice %arg7[%arg0, %mul3A_2, %dma_wait3A] : memref<2x10112x128xf32, #tpu.memory_space<hbm>> -> memref<1x632x128xf32, #tpu.memory_space<hbm>>
      %dma_wait3A_21 = tpu.memref_squeeze %dma_wait3A_20 : memref<1x632x128xf32, #tpu.memory_space<hbm>> -> memref<632x128xf32, #tpu.memory_space<hbm>>
      %dma_wait3A_22 = arith.constant 0 : i32
      %dma_wait3A_23 = tpu.memref_slice %arg11[%mul3A_2, %dma_wait3A_22] : memref<10112x128xf32, #tpu.memory_space<vmem_shared>> -> memref<632x128xf32, #tpu.memory_space<vmem_shared>>
      tpu.wait_dma2 semaphore(%run_scoped3A : memref<!tpu.dma_semaphore, #tpu.memory_space<semaphore_mem>>) src(%dma_wait3A_23 : memref<632x128xf32, #tpu.memory_space<vmem_shared>>) dst(%dma_wait3A_21 : memref<632x128xf32, #tpu.memory_space<hbm>>)
      tpu.yield
    }) : () -> ()
    return
  }
}

#map = affine_map<(d0, d1) -> (0)>
#map1 = affine_map<(d0, d1) -> (0, 0)>
#map2 = affine_map<(d0, d1) -> (0, 0, 0)>
module attributes {stable_mosaic.version = 14 : i64} {
  func.func @body(%arg0: i32, %arg1: i32, %arg2: memref<163840xi32, #tpu.memory_space<hbm>>, %arg3: memref<163840xi32, #tpu.memory_space<hbm>>, %arg4: memref<10112x128xf32, #tpu.memory_space<hbm>>, %arg5: memref<10112x128xf32, #tpu.memory_space<hbm>>, %arg6: memref<128x128xf32, #tpu.memory_space<hbm>>, %arg7: memref<2x10112x128xf32, #tpu.memory_space<hbm>>, %arg8: memref<128xi32, #tpu.memory_space<vmem>>, %arg9: memref<128xi32, #tpu.memory_space<vmem>>, %arg10: memref<128x128xf32, #tpu.memory_space<vmem>>, %arg11: memref<10112x128xf32, #tpu.memory_space<vmem_shared>>, %arg12: memref<!tpu.dma_semaphore, #tpu.memory_space<semaphore_mem>>) attributes {dimension_semantics = [#tpu.dimension_semantics<core_parallel>, #tpu.dimension_semantics<subcore_parallel>], iteration_bounds = array<i64: 2, 16>, scalar_prefetch = 0 : i64, scratch_operands = 5 : i64, tpu.core_type = #tpu.core_type<sc_vector_subcore>, window_params = [{transform_indices = #map}, {transform_indices = #map}, {transform_indices = #map1}, {transform_indices = #map1}, {transform_indices = #map1}, {transform_indices = #map2}]} {
    %mul3A = arith.constant 2 : i32
    %mul3A_0 = arith.muli %arg1, %mul3A : i32
    %add3A = arith.addi %mul3A_0, %arg0 : i32
    %mul3A_1 = arith.constant 632 : i32
    %mul3A_2 = arith.muli %arg1, %mul3A_1 : i32
    "tpu.region"() ({
      %run_scoped3A = tpu.sem_alloc : memref<!tpu.dma_semaphore, #tpu.memory_space<semaphore_mem>>
      %dma_start3A = arith.constant 0 : i32
      %dma_start3A_16 = tpu.memref_slice %arg11[%mul3A_2, %dma_start3A] : memref<10112x128xf32, #tpu.memory_space<vmem_shared>> -> memref<632x128xf32, #tpu.memory_space<vmem_shared>>
      %dma_start3A_17 = arith.constant 0 : i32
      %dma_start3A_18 = tpu.memref_slice %arg5[%mul3A_2, %dma_start3A_17] : memref<10112x128xf32, #tpu.memory_space<hbm>> -> memref<632x128xf32, #tpu.memory_space<hbm>>
      tpu.enqueue_dma source(%dma_start3A_18 : memref<632x128xf32, #tpu.memory_space<hbm>>) target(%dma_start3A_16 : memref<632x128xf32, #tpu.memory_space<vmem_shared>>) target_semaphore(%run_scoped3A : memref<!tpu.dma_semaphore, #tpu.memory_space<semaphore_mem>>)
      %dma_wait3A = arith.constant 0 : i32
      %dma_wait3A_19 = tpu.memref_slice %arg11[%mul3A_2, %dma_wait3A] : memref<10112x128xf32, #tpu.memory_space<vmem_shared>> -> memref<632x128xf32, #tpu.memory_space<vmem_shared>>
      %dma_wait3A_20 = arith.constant 0 : i32
      %dma_wait3A_21 = tpu.memref_slice %arg5[%mul3A_2, %dma_wait3A_20] : memref<10112x128xf32, #tpu.memory_space<hbm>> -> memref<632x128xf32, #tpu.memory_space<hbm>>
      tpu.wait_dma2 semaphore(%run_scoped3A : memref<!tpu.dma_semaphore, #tpu.memory_space<semaphore_mem>>) src(%dma_wait3A_21 : memref<632x128xf32, #tpu.memory_space<hbm>>) dst(%dma_wait3A_19 : memref<632x128xf32, #tpu.memory_space<vmem_shared>>)
      tpu.yield
    }) : () -> ()
    "tpu.region"() ({
      %run_scoped3A = tpu.sem_alloc : memref<!tpu.dma_semaphore, #tpu.memory_space<semaphore_mem>>
      tpu.enqueue_dma source(%arg6 : memref<128x128xf32, #tpu.memory_space<hbm>>) target(%arg10 : memref<128x128xf32, #tpu.memory_space<vmem>>) target_semaphore(%run_scoped3A : memref<!tpu.dma_semaphore, #tpu.memory_space<semaphore_mem>>)
      tpu.wait_dma2 semaphore(%run_scoped3A : memref<!tpu.dma_semaphore, #tpu.memory_space<semaphore_mem>>) src(%arg6 : memref<128x128xf32, #tpu.memory_space<hbm>>) dst(%arg10 : memref<128x128xf32, #tpu.memory_space<vmem>>)
      tpu.yield
    }) : () -> ()
    %barrier3A = arith.constant 0 : index
    tpu.barrier barrier_id(%barrier3A)
    %mul3A_3 = arith.constant 5120 : i32
    %mul3A_4 = arith.muli %add3A, %mul3A_3 : i32
    %while3A = arith.constant 0 : i32
    %while3A_5 = arith.constant 0 : i32
    %while3A_6 = arith.constant 40 : i32
    %while3A_7 = arith.subi %while3A_6, %while3A_5 : i32
    %while3A_8 = arith.addi %while3A_5, %while3A_7 : i32
    %while3A_9 = arith.constant 1 : i32
    %while3A_10 = arith.divsi %while3A_7, %while3A_9 : i32
    %while3A_11 = arith.muli %while3A_10, %while3A_9 : i32
    %while3A_12 = arith.addi %while3A_5, %while3A_11 : i32
    %while3A_13 = arith.constant 1 : i32
    scf.for %while3A_16 = %while3A_5 to %while3A_12 step %while3A_13  : i32 {
      %mul3A_17 = arith.constant 128 : i32
      %mul3A_18 = arith.muli %while3A_16, %mul3A_17 : i32
      %add3A_19 = arith.addi %mul3A_4, %mul3A_18 : i32
      "tpu.region"() ({
        %run_scoped3A = tpu.sem_alloc : memref<!tpu.dma_semaphore, #tpu.memory_space<semaphore_mem>>
        %dma_start3A = tpu.memref_slice %arg3[%add3A_19] : memref<163840xi32, #tpu.memory_space<hbm>> -> memref<128xi32, #tpu.memory_space<hbm>>
        %dma_start3A_20 = tpu.memref_slice %arg3[%add3A_19] : memref<163840xi32, #tpu.memory_space<hbm>> -> memref<128xi32, #tpu.memory_space<hbm>>
        tpu.enqueue_dma source(%dma_start3A_20 : memref<128xi32, #tpu.memory_space<hbm>>) target(%arg9 : memref<128xi32, #tpu.memory_space<vmem>>) target_semaphore(%run_scoped3A : memref<!tpu.dma_semaphore, #tpu.memory_space<semaphore_mem>>)
        %dma_wait3A = tpu.memref_slice %arg3[%add3A_19] : memref<163840xi32, #tpu.memory_space<hbm>> -> memref<128xi32, #tpu.memory_space<hbm>>
        %dma_wait3A_21 = tpu.memref_slice %arg3[%add3A_19] : memref<163840xi32, #tpu.memory_space<hbm>> -> memref<128xi32, #tpu.memory_space<hbm>>
        tpu.wait_dma2 semaphore(%run_scoped3A : memref<!tpu.dma_semaphore, #tpu.memory_space<semaphore_mem>>) src(%dma_wait3A_21 : memref<128xi32, #tpu.memory_space<hbm>>) dst(%arg9 : memref<128xi32, #tpu.memory_space<vmem>>)
        tpu.yield
      }) : () -> ()
      "tpu.region"() ({
        %run_scoped3A = tpu.sem_alloc : memref<!tpu.dma_semaphore, #tpu.memory_space<semaphore_mem>>
        %dma_start3A = arith.constant 0 : i32
        %dma_start3A_20 = arith.constant 0 : i32
        %dma_start3A_21 = tpu.memref_slice %arg11[%dma_start3A, %dma_start3A_20] : memref<10112x128xf32, #tpu.memory_space<vmem_shared>> -> memref<10112x128xf32, #tpu.memory_space<vmem_shared>>
        tpu.enqueue_indirect_dma source(%arg10 : memref<128x128xf32, #tpu.memory_space<vmem>>) target(%dma_start3A_21 : memref<10112x128xf32, #tpu.memory_space<vmem_shared>>) offsets(%arg9 : memref<128xi32, #tpu.memory_space<vmem>>) semaphore(%run_scoped3A : memref<!tpu.dma_semaphore, #tpu.memory_space<semaphore_mem>>) {add = true}
        %dma_wait3A = arith.constant 0 : i32
        %dma_wait3A_22 = arith.constant 0 : i32
        %dma_wait3A_23 = tpu.memref_slice %arg11[%dma_wait3A, %dma_wait3A_22] : memref<10112x128xf32, #tpu.memory_space<vmem_shared>> -> memref<10112x128xf32, #tpu.memory_space<vmem_shared>>
        tpu.wait_indirect_dma semaphore(%run_scoped3A : memref<!tpu.dma_semaphore, #tpu.memory_space<semaphore_mem>>) src(%arg10 : memref<128x128xf32, #tpu.memory_space<vmem>>) dst(%dma_wait3A_23 : memref<10112x128xf32, #tpu.memory_space<vmem_shared>>)
        tpu.yield
      }) : () -> ()
    }
    %while3A_14 = arith.constant 1 : i32
    scf.for %while3A_16 = %while3A_12 to %while3A_8 step %while3A_14  : i32 {
      %mul3A_17 = arith.constant 128 : i32
      %mul3A_18 = arith.muli %while3A_16, %mul3A_17 : i32
      %add3A_19 = arith.addi %mul3A_4, %mul3A_18 : i32
      "tpu.region"() ({
        %run_scoped3A = tpu.sem_alloc : memref<!tpu.dma_semaphore, #tpu.memory_space<semaphore_mem>>
        %dma_start3A = tpu.memref_slice %arg3[%add3A_19] : memref<163840xi32, #tpu.memory_space<hbm>> -> memref<128xi32, #tpu.memory_space<hbm>>
        %dma_start3A_20 = tpu.memref_slice %arg3[%add3A_19] : memref<163840xi32, #tpu.memory_space<hbm>> -> memref<128xi32, #tpu.memory_space<hbm>>
        tpu.enqueue_dma source(%dma_start3A_20 : memref<128xi32, #tpu.memory_space<hbm>>) target(%arg9 : memref<128xi32, #tpu.memory_space<vmem>>) target_semaphore(%run_scoped3A : memref<!tpu.dma_semaphore, #tpu.memory_space<semaphore_mem>>)
        %dma_wait3A = tpu.memref_slice %arg3[%add3A_19] : memref<163840xi32, #tpu.memory_space<hbm>> -> memref<128xi32, #tpu.memory_space<hbm>>
        %dma_wait3A_21 = tpu.memref_slice %arg3[%add3A_19] : memref<163840xi32, #tpu.memory_space<hbm>> -> memref<128xi32, #tpu.memory_space<hbm>>
        tpu.wait_dma2 semaphore(%run_scoped3A : memref<!tpu.dma_semaphore, #tpu.memory_space<semaphore_mem>>) src(%dma_wait3A_21 : memref<128xi32, #tpu.memory_space<hbm>>) dst(%arg9 : memref<128xi32, #tpu.memory_space<vmem>>)
        tpu.yield
      }) : () -> ()
      "tpu.region"() ({
        %run_scoped3A = tpu.sem_alloc : memref<!tpu.dma_semaphore, #tpu.memory_space<semaphore_mem>>
        %dma_start3A = arith.constant 0 : i32
        %dma_start3A_20 = arith.constant 0 : i32
        %dma_start3A_21 = tpu.memref_slice %arg11[%dma_start3A, %dma_start3A_20] : memref<10112x128xf32, #tpu.memory_space<vmem_shared>> -> memref<10112x128xf32, #tpu.memory_space<vmem_shared>>
        tpu.enqueue_indirect_dma source(%arg10 : memref<128x128xf32, #tpu.memory_space<vmem>>) target(%dma_start3A_21 : memref<10112x128xf32, #tpu.memory_space<vmem_shared>>) offsets(%arg9 : memref<128xi32, #tpu.memory_space<vmem>>) semaphore(%run_scoped3A : memref<!tpu.dma_semaphore, #tpu.memory_space<semaphore_mem>>) {add = true}
        %dma_wait3A = arith.constant 0 : i32
        %dma_wait3A_22 = arith.constant 0 : i32
        %dma_wait3A_23 = tpu.memref_slice %arg11[%dma_wait3A, %dma_wait3A_22] : memref<10112x128xf32, #tpu.memory_space<vmem_shared>> -> memref<10112x128xf32, #tpu.memory_space<vmem_shared>>
        tpu.wait_indirect_dma semaphore(%run_scoped3A : memref<!tpu.dma_semaphore, #tpu.memory_space<semaphore_mem>>) src(%arg10 : memref<128x128xf32, #tpu.memory_space<vmem>>) dst(%dma_wait3A_23 : memref<10112x128xf32, #tpu.memory_space<vmem_shared>>)
        tpu.yield
      }) : () -> ()
    }
    %barrier3A_15 = arith.constant 0 : index
    tpu.barrier barrier_id(%barrier3A_15)
    "tpu.region"() ({
      %run_scoped3A = tpu.sem_alloc : memref<!tpu.dma_semaphore, #tpu.memory_space<semaphore_mem>>
      %dma_start3A = arith.constant 0 : i32
      %dma_start3A_16 = tpu.memref_slice %arg7[%arg0, %mul3A_2, %dma_start3A] : memref<2x10112x128xf32, #tpu.memory_space<hbm>> -> memref<1x632x128xf32, #tpu.memory_space<hbm>>
      %dma_start3A_17 = tpu.memref_squeeze %dma_start3A_16 : memref<1x632x128xf32, #tpu.memory_space<hbm>> -> memref<632x128xf32, #tpu.memory_space<hbm>>
      %dma_start3A_18 = arith.constant 0 : i32
      %dma_start3A_19 = tpu.memref_slice %arg11[%mul3A_2, %dma_start3A_18] : memref<10112x128xf32, #tpu.memory_space<vmem_shared>> -> memref<632x128xf32, #tpu.memory_space<vmem_shared>>
      tpu.enqueue_dma source(%dma_start3A_19 : memref<632x128xf32, #tpu.memory_space<vmem_shared>>) target(%dma_start3A_17 : memref<632x128xf32, #tpu.memory_space<hbm>>) target_semaphore(%run_scoped3A : memref<!tpu.dma_semaphore, #tpu.memory_space<semaphore_mem>>)
      %dma_wait3A = arith.constant 0 : i32
      %dma_wait3A_20 = tpu.memref_slice %arg7[%arg0, %mul3A_2, %dma_wait3A] : memref<2x10112x128xf32, #tpu.memory_space<hbm>> -> memref<1x632x128xf32, #tpu.memory_space<hbm>>
      %dma_wait3A_21 = tpu.memref_squeeze %dma_wait3A_20 : memref<1x632x128xf32, #tpu.memory_space<hbm>> -> memref<632x128xf32, #tpu.memory_space<hbm>>
      %dma_wait3A_22 = arith.constant 0 : i32
      %dma_wait3A_23 = tpu.memref_slice %arg11[%mul3A_2, %dma_wait3A_22] : memref<10112x128xf32, #tpu.memory_space<vmem_shared>> -> memref<632x128xf32, #tpu.memory_space<vmem_shared>>
      tpu.wait_dma2 semaphore(%run_scoped3A : memref<!tpu.dma_semaphore, #tpu.memory_space<semaphore_mem>>) src(%dma_wait3A_23 : memref<632x128xf32, #tpu.memory_space<vmem_shared>>) dst(%dma_wait3A_21 : memref<632x128xf32, #tpu.memory_space<hbm>>)
      tpu.yield
    }) : () -> ()
    return
  }
}

module attributes {stable_mosaic.version = 14 : i64} {
  func.func @body(%arg0: i32, %arg1: memref<1000x256xf32, #tpu.memory_space<vmem>>, %arg2: memref<256x16xf32, #tpu.memory_space<vmem>>, %arg3: memref<2x1000x128xf32, #tpu.memory_space<vmem>>, %arg4: memref<1000x128xf32, #tpu.memory_space<vmem>>, %arg5: memref<1000x16xf32, #tpu.memory_space<vmem>>) attributes {dimension_semantics = [#tpu.dimension_semantics<arbitrary>], iteration_bounds = array<i64: 10>, scalar_prefetch = 0 : i64, scratch_operands = 0 : i64, tpu.core_type = #tpu.core_type<tc>, window_params = [{transform_indices = @transform_0, window_bounds = array<i64: 1000, 256>}, {pipeline_mode = #tpu.pipeline_mode<synchronous>, transform_indices = @transform_1, window_bounds = array<i64: 256, 16>}, {transform_indices = @transform_2, window_bounds = array<i64: 2, 1000, 128>}, {transform_indices = @transform_3, window_bounds = array<i64: 1000, 128>}, {transform_indices = @transform_4, window_bounds = array<i64: 1000, 16>}]} {
    %get3A = arith.constant 0 : index
    %get3A_0 = arith.constant 0 : index
    %get3A_1 = vector.load %arg1[%get3A, %get3A_0] : memref<1000x256xf32, #tpu.memory_space<vmem>>, vector<1000x256xf32>
    %get3A_2 = arith.constant 0 : index
    %get3A_3 = arith.constant 0 : index
    %get3A_4 = vector.load %arg2[%get3A_2, %get3A_3] : memref<256x16xf32, #tpu.memory_space<vmem>>, vector<256x16xf32>
    %dot_general3A = arith.constant dense<0.000000e+00> : vector<1000x16xf32>
    %dot_general3A_5 = tpu.matmul %get3A_1, %get3A_4, %dot_general3A {dimension_numbers = #tpu.dot_dimension_numbers<[1], [0], [0], [1], [0, 0, 1, 1], [], []>, transpose_lhs_hint = false} : vector<1000x256xf32>, vector<256x16xf32>, vector<1000x16xf32> -> vector<1000x16xf32>
    %get3A_6 = arith.constant 0 : index
    %get3A_7 = arith.constant 0 : index
    %get3A_8 = arith.constant 0 : index
    %get3A_9 = vector.load %arg3[%get3A_6, %get3A_7, %get3A_8] : memref<2x1000x128xf32, #tpu.memory_space<vmem>>, vector<1x1000x16xf32>
    %get3A_10 = vector.shape_cast %get3A_9 : vector<1x1000x16xf32> to vector<1000x16xf32>
    %get3A_11 = arith.constant 1 : index
    %get3A_12 = arith.constant 0 : index
    %get3A_13 = arith.constant 0 : index
    %get3A_14 = vector.load %arg3[%get3A_11, %get3A_12, %get3A_13] : memref<2x1000x128xf32, #tpu.memory_space<vmem>>, vector<1x1000x16xf32>
    %get3A_15 = vector.shape_cast %get3A_14 : vector<1x1000x16xf32> to vector<1000x16xf32>
    %add3A = arith.addf %get3A_10, %get3A_15 : vector<1000x16xf32>
    %add3A_16 = arith.constant 1.000000e+00 : f32
    %add3A_17 = vector.broadcast %add3A_16 : f32 to vector<1000x16xf32>
    %add3A_18 = arith.addf %add3A, %add3A_17 : vector<1000x16xf32>
    %rsqrt3A = math.rsqrt %add3A_18 : vector<1000x16xf32>
    %swap3A = arith.constant 0 : index
    %swap3A_19 = arith.constant 0 : index
    %swap3A_20 = vector.load %arg5[%swap3A, %swap3A_19] : memref<1000x16xf32, #tpu.memory_space<vmem>>, vector<1000x16xf32>
    tpu.vector_store %arg5[%swap3A, %swap3A_19], %rsqrt3A {strides = array<i32>} : memref<1000x16xf32, #tpu.memory_space<vmem>>, vector<1000x16xf32>,
    %mul3A = arith.mulf %rsqrt3A, %dot_general3A_5 : vector<1000x16xf32>
    %jit3A = arith.constant 0 : i64
    %convert_element_type3A = arith.sitofp %jit3A : i64 to f32
    %pad3A = vector.broadcast %convert_element_type3A : f32 to vector<1000x112xf32>
    %pad3A_21 = tpu.concatenate %mul3A, %pad3A in 1 : vector<1000x16xf32>, vector<1000x112xf32> -> vector<1000x128xf32>
    %swap3A_22 = arith.constant 0 : index
    %swap3A_23 = arith.constant 0 : index
    %swap3A_24 = vector.load %arg4[%swap3A_22, %swap3A_23] : memref<1000x128xf32, #tpu.memory_space<vmem>>, vector<1000x128xf32>
    tpu.vector_store %arg4[%swap3A_22, %swap3A_23], %pad3A_21 {strides = array<i32>} : memref<1000x128xf32, #tpu.memory_space<vmem>>, vector<1000x128xf32>,
    return
  }
  func.func @transform_0(%arg0: i32) -> (i32, i32) {
    %c0_i32 = arith.constant 0 : i32
    %c0_i32_0 = arith.constant 0 : i32
    return %arg0, %c0_i32 : i32, i32
  }
  func.func @transform_1(%arg0: i32) -> (i32, i32) {
    %c0_i32 = arith.constant 0 : i32
    %c0_i32_0 = arith.constant 0 : i32
    %c0_i32_1 = arith.constant 0 : i32
    return %c0_i32, %c0_i32_0 : i32, i32
  }
  func.func @transform_2(%arg0: i32) -> (i32, i32, i32) {
    %c0_i32 = arith.constant 0 : i32
    %c0_i32_0 = arith.constant 0 : i32
    %c0_i32_1 = arith.constant 0 : i32
    return %c0_i32, %arg0, %c0_i32_0 : i32, i32, i32
  }
  func.func @transform_3(%arg0: i32) -> (i32, i32) {
    %c0_i32 = arith.constant 0 : i32
    %c0_i32_0 = arith.constant 0 : i32
    return %arg0, %c0_i32 : i32, i32
  }
  func.func @transform_4(%arg0: i32) -> (i32, i32) {
    %c0_i32 = arith.constant 0 : i32
    %c0_i32_0 = arith.constant 0 : i32
    return %arg0, %c0_i32 : i32, i32
  }
}

module attributes {stable_mosaic.version = 14 : i64} {
  func.func @body(%arg0: i32, %arg1: memref<2x10112x128xf32, #tpu.memory_space<vmem>>, %arg2: memref<10000x128xf32, #tpu.memory_space<vmem>>, %arg3: memref<10000x16xf32, #tpu.memory_space<vmem>>, %arg4: memref<200x10000xf32, #tpu.memory_space<vmem>>, %arg5: memref<10000x16xf32, #tpu.memory_space<vmem>>) attributes {dimension_semantics = [#tpu.dimension_semantics<arbitrary>], iteration_bounds = array<i64: 50>, scalar_prefetch = 0 : i64, scratch_operands = 1 : i64, tpu.core_type = #tpu.core_type<tc>, window_params = [{pipeline_mode = #tpu.pipeline_mode<synchronous>, transform_indices = @transform_0, window_bounds = array<i64: 2, 10112, 128>}, {pipeline_mode = #tpu.pipeline_mode<synchronous>, transform_indices = @transform_1, window_bounds = array<i64: 10000, 128>}, {pipeline_mode = #tpu.pipeline_mode<synchronous>, transform_indices = @transform_2, window_bounds = array<i64: 10000, 16>}, {transform_indices = @transform_3, window_bounds = array<i64: 200, 10000>}]} {
    %eq3A = arith.constant 0 : i32
    %eq3A_0 = arith.cmpi eq, %arg0, %eq3A : i32
    %convert_element_type3A = arith.extui %eq3A_0 : i1 to i32
    %cond3A = arith.constant 0 : i32
    %cond3A_1 = arith.cmpi ne, %convert_element_type3A, %cond3A : i32
    scf.if %cond3A_1 {
      %get3A_19 = arith.constant 0 : index
      %get3A_20 = arith.constant 0 : index
      %get3A_21 = arith.constant 0 : index
      %get3A_22 = vector.load %arg1[%get3A_19, %get3A_20, %get3A_21] : memref<2x10112x128xf32, #tpu.memory_space<vmem>>, vector<1x10000x16xf32>
      %get3A_23 = vector.shape_cast %get3A_22 : vector<1x10000x16xf32> to vector<10000x16xf32>
      %get3A_24 = arith.constant 1 : index
      %get3A_25 = arith.constant 0 : index
      %get3A_26 = arith.constant 0 : index
      %get3A_27 = vector.load %arg1[%get3A_24, %get3A_25, %get3A_26] : memref<2x10112x128xf32, #tpu.memory_space<vmem>>, vector<1x10000x16xf32>
      %get3A_28 = vector.shape_cast %get3A_27 : vector<1x10000x16xf32> to vector<10000x16xf32>
      %add3A_29 = arith.addf %get3A_23, %get3A_28 : vector<10000x16xf32>
      %get3A_30 = arith.constant 0 : index
      %get3A_31 = arith.constant 0 : index
      %get3A_32 = vector.load %arg3[%get3A_30, %get3A_31] : memref<10000x16xf32, #tpu.memory_space<vmem>>, vector<10000x16xf32>
      %get3A_33 = arith.constant 0 : index
      %get3A_34 = arith.constant 0 : index
      %get3A_35 = vector.load %arg2[%get3A_33, %get3A_34] : memref<10000x128xf32, #tpu.memory_space<vmem>>, vector<10000x16xf32>
      %add3A_36 = arith.addf %add3A_29, %get3A_35 : vector<10000x16xf32>
      %mul3A_37 = arith.mulf %get3A_32, %add3A_36 : vector<10000x16xf32>
      %max3A = arith.constant 0.000000e+00 : f32
      %max3A_38 = vector.broadcast %max3A : f32 to vector<10000x16xf32>
      %max3A_39 = arith.maximumf %mul3A_37, %max3A_38 : vector<10000x16xf32>
      %swap3A_40 = arith.constant 0 : index
      %swap3A_41 = arith.constant 0 : index
      %swap3A_42 = vector.load %arg5[%swap3A_40, %swap3A_41] : memref<10000x16xf32, #tpu.memory_space<vmem>>, vector<10000x16xf32>
      tpu.vector_store %arg5[%swap3A_40, %swap3A_41], %max3A_39 {strides = array<i32>} : memref<10000x16xf32, #tpu.memory_space<vmem>>, vector<10000x16xf32>,
    } else {
    }
    %mul3A = arith.constant 200 : i32
    %mul3A_2 = arith.muli %arg0, %mul3A : i32
    %get3A = arith.index_cast %mul3A_2 : i32 to index
    %get3A_3 = arith.constant 0 : index
    %get3A_4 = vector.load %arg5[%get3A, %get3A_3] : memref<10000x16xf32, #tpu.memory_space<vmem>>, vector<200x16xf32>
    %get3A_5 = arith.constant 0 : index
    %get3A_6 = arith.constant 0 : index
    %get3A_7 = vector.load %arg5[%get3A_5, %get3A_6] : memref<10000x16xf32, #tpu.memory_space<vmem>>, vector<10000x16xf32>
    %dot_general3A = arith.constant dense<0.000000e+00> : vector<200x10000xf32>
    %dot_general3A_8 = tpu.matmul %get3A_4, %get3A_7, %dot_general3A {dimension_numbers = #tpu.dot_dimension_numbers<[1], [1], [0], [0], [0, 0, 1, 0], [], []>, transpose_lhs_hint = false} : vector<200x16xf32>, vector<10000x16xf32>, vector<200x10000xf32> -> vector<200x10000xf32>
    %mul3A_9 = arith.constant 5.000000e-01 : f32
    %mul3A_10 = vector.broadcast %mul3A_9 : f32 to vector<200x10000xf32>
    %mul3A_11 = arith.mulf %mul3A_10, %dot_general3A_8 : vector<200x10000xf32>
    %tanh3A = math.tanh %mul3A_11 : vector<200x10000xf32>
    %mul3A_12 = arith.constant 5.000000e-01 : f32
    %mul3A_13 = vector.broadcast %mul3A_12 : f32 to vector<200x10000xf32>
    %mul3A_14 = arith.mulf %mul3A_13, %tanh3A : vector<200x10000xf32>
    %add3A = arith.constant 5.000000e-01 : f32
    %add3A_15 = vector.broadcast %add3A : f32 to vector<200x10000xf32>
    %add3A_16 = arith.addf %mul3A_14, %add3A_15 : vector<200x10000xf32>
    %swap3A = arith.constant 0 : index
    %swap3A_17 = arith.constant 0 : index
    %swap3A_18 = vector.load %arg4[%swap3A, %swap3A_17] : memref<200x10000xf32, #tpu.memory_space<vmem>>, vector<200x10000xf32>
    tpu.vector_store %arg4[%swap3A, %swap3A_17], %add3A_16 {strides = array<i32>} : memref<200x10000xf32, #tpu.memory_space<vmem>>, vector<200x10000xf32>,
    return
  }
  func.func @transform_0(%arg0: i32) -> (i32, i32, i32) {
    %c0_i32 = arith.constant 0 : i32
    %c0_i32_0 = arith.constant 0 : i32
    %c0_i32_1 = arith.constant 0 : i32
    %c0_i32_2 = arith.constant 0 : i32
    return %c0_i32, %c0_i32_0, %c0_i32_1 : i32, i32, i32
  }
  func.func @transform_1(%arg0: i32) -> (i32, i32) {
    %c0_i32 = arith.constant 0 : i32
    %c0_i32_0 = arith.constant 0 : i32
    %c0_i32_1 = arith.constant 0 : i32
    return %c0_i32, %c0_i32_0 : i32, i32
  }
  func.func @transform_2(%arg0: i32) -> (i32, i32) {
    %c0_i32 = arith.constant 0 : i32
    %c0_i32_0 = arith.constant 0 : i32
    %c0_i32_1 = arith.constant 0 : i32
    return %c0_i32, %c0_i32_0 : i32, i32
  }
  func.func @transform_3(%arg0: i32) -> (i32, i32) {
    %c0_i32 = arith.constant 0 : i32
    %c0_i32_0 = arith.constant 0 : i32
    return %arg0, %c0_i32 : i32, i32
  }
}

</mosaic_0001>

<sc_bundles>
// kernel: kernel.6.cloned.1.call-start
scs
__scs_entry_jumppad:
0x0: {  	(pc) =	sbr.rel $0x88, $3  }
0x1: {  	(tag) =	ssettag $0x0;
	lr =	simm.s32 $0x1  }
0x2: {  	[smem:$0x3F9E] =	sst lr;
	_ =	strace $0xD0000000  }
0x3: {  	_ = 	snop  }
0x4: {  	_ = 	snop  }
0x5: {  	_ = 	snop  }
0x6: {  	_ = 	snop  }
0x7: {  	_ = 	snop  }
__scs_overlays_trampoline_lowered:
0x8: {  	[smem:$0x3FAD] =	sst s0  }
0x9: {  	[smem:$0x3FAE] =	sst s1  }
0xa: {  	[smem:$0x3FAF] =	sst s2  }
0xb: {  	[smem:$0x3FB0] =	sst s3  }
0xc: {  	[smem:$0x3FB1] =	sst s4  }
0xd: {  	[smem:$0x3FB2] =	sst s5  }
0xe: {  	[smem:$0x3FB3] =	sst s6  }
0xf: {  	[smem:$0x3FB4] =	sst s7  }
0x10: {  	[smem:$0x3FB5] =	sst s8  }
0x11: {  	[smem:$0x3FB6] =	sst s9;
	s0 =	simm.s32 @!p0 $0x0  }
0x12: {  	s1 =	sld [smem:$0x3F9C];
	s0 =	simm.s32 @p0 $0x1  }
0x13: {  	[smem:$0x3FB7] =	sst s0;
	s0 =	simm.s32 @!p1 $0x0  }
0x14: {  	s2 =	sld [smem:$0x3F9B];
	s0 =	simm.s32 @p1 $0x1  }
0x15: {  	[smem:$0x3FB8] =	sst s0;
	s0 =	simm.s32 @!p2 $0x0  }
0x16: {  	s3 =	sld [smem:$0x3FDB];
	s0 =	simm.s32 @p2 $0x1  }
0x17: {  	s4 =	simm.s32 $0x1BF5;
	[smem:$0x3FBA] =	sst s0  }
0x18: {  	s0 =	sld [smem:$0x3F9D];
	_ =	swait.ge [sflag:s4], $0x0  }
0x19: {  	s7 =	sld [smem:$0x3F9E]  }
0x1a: {  	s8 =	sadd.s32 $0xFFFFE003, lr  }
0x1b: {  	s9 =	sadd.s32 $0xFFFFFEF7, lr;
	s5 =	simm.s32 $0xFFFFFFFF;
	p2 =	slt.u32 s8, $0xFFFFF086  }
0x1c: {  	p1 =	slt.u32 s9, $0xF7A;
	s5 =	simm.s32 @!p2 $0x0  }
0x1d: {  	s5 =	simm.s32 @p1 $0x1;
	p0 =	seq.s32 s7, s2  }
0x1e: {  	s7 =	smul.u32 @!p0 $0xF7A, s2;
	p2 =	seq.s32 @!p0 s5, $0x0  }
0x1f: {  	s9 =	smul.u32 $0xF7A, s1;
	s8 =	simm.s32 @!p0 $0x1BF5;
	p2 =	por !p2, p0  }
0x20: {  	[sflag:s8] =	ssyncset.s32 @!p0 $0xFFFFF086;
	s6 =	sadd.s32 @!p0 s3, s7;
	s7 =	simm.s32 @!p0 $0x108  }
0x21: {  	s3 =	sadd.s32 s3, s9;
	s6 =	sadd.s32 @!p0 $0x88, s6;
	s7 =	simm.s32 @p2 $0x1082  }
0x22: {  	[simem:s7], [sflag:s8] =	dma.local @!p0 [hbm:s6], $0xF7A  }
0x23: {  	s9 =	sor.u32 $0xD0000000, s2;
	s6 =	simm.s32 $0x108;
	_ =	swait.ge @!p0 [sflag:s8], $0x0  }
0x24: {  	s3 =	sadd.s32 $0x88, s3;
	s6 =	simm.s32 @!p1 $0x1082;
	[sflag:s4] =	ssyncset.s32 $0xFFFFF086  }
0x25: {  	[simem:s6], [sflag:s4] =	dma.local [hbm:s3], $0xF7A  }
0x26: {  	[smem:$0x3F9E] =	sst s1;
	(tag) =	ssettag s2;
	_ =	strace s9  }
0x27: {  	s1 =	sld [smem:$0x3FAE]  }
0x28: {  	s2 =	sld [smem:$0x3FAF]  }
0x29: {  	s4 =	sld [smem:$0x3FB1]  }
0x2a: {  	p0 =	seq.s32 s5, $0x0;
	s5 =	sld [smem:$0x3FB2]  }
0x2b: {  	s6 =	sld [smem:$0x3FB3]  }
0x2c: {  	s7 =	sld [smem:$0x3FB4]  }
0x2d: {  	s3 =	simm.s32 $0x108;
	s8 =	sld [smem:$0x3FB5]  }
0x2e: {  	s3 =	simm.s32 @!p0 $0x1082;
	s9 =	sld [smem:$0x3FB6]  }
0x2f: {  	lr =	sadd.s32 s0, s3;
	s0 =	sld [smem:$0x3FAD]  }
0x30: {  	s3 =	sld [smem:$0x3FB0]  }
0x31: {  	[smem:$0x3FB9] =	sst s10  }
0x32: {  	s10 =	sld [smem:$0x3FB7];
	_ =	sdelay $0x3  }
0x33: {  	p0 =	seq.s32 s10, $0x1;
	s10 =	sld [smem:$0x3FB9];
	_ =	sdelay $0x3  }
0x34: {  	[smem:$0x3FB9] =	sst s10  }
0x35: {  	s10 =	sld [smem:$0x3FB8];
	_ =	sdelay $0x3  }
0x36: {  	p1 =	seq.s32 s10, $0x1;
	s10 =	sld [smem:$0x3FB9];
	_ =	sdelay $0x3  }
0x37: {  	[smem:$0x3FB9] =	sst s10  }
0x38: {  	s10 =	sld [smem:$0x3FBA]  }
0x39: {  	_ = 	snop;
	(pc) =	sbr.ind lr, $3  }
0x3a: {  	_ = 	snop  }
0x3b: {  	_ = 	snop  }
0x3c: {  	p2 =	seq.s32 s10, $0x1;
	s10 =	sld [smem:$0x3FB9]  }
0x3d: {  	_ =	shalt  }
0x3e: {  	_ =	shalt  }
0x3f: {  	_ =	shalt  }
0x40: {  	_ =	shalt  }
0x41: {  	_ =	shalt  }
0x42: {  	_ =	shalt  }
0x43: {  	_ =	shalt  }
0x44: {  	_ =	shalt  }
0x45: {  	_ =	shalt  }
0x46: {  	_ =	shalt  }
0x47: {  	_ =	shalt  }
0x48: {  	_ =	shalt  }
0x49: {  	_ =	shalt  }
0x4a: {  	_ =	shalt  }
0x4b: {  	_ =	shalt  }
0x4c: {  	_ =	shalt  }
0x4d: {  	_ =	shalt  }
0x4e: {  	_ =	shalt  }
0x4f: {  	_ =	shalt  }
0x50: {  	_ =	shalt  }
0x51: {  	_ =	shalt  }
0x52: {  	_ =	shalt  }
0x53: {  	_ =	shalt  }
0x54: {  	_ =	shalt  }
0x55: {  	_ =	shalt  }
0x56: {  	_ =	shalt  }
0x57: {  	_ =	shalt  }
0x58: {  	_ =	shalt  }
0x59: {  	_ =	shalt  }
0x5a: {  	_ =	shalt  }
0x5b: {  	_ =	shalt  }
0x5c: {  	_ =	shalt  }
0x5d: {  	_ =	shalt  }
0x5e: {  	_ =	shalt  }
0x5f: {  	_ =	shalt  }
0x60: {  	_ =	shalt  }
0x61: {  	_ =	shalt  }
0x62: {  	_ =	shalt  }
0x63: {  	_ =	shalt  }
0x64: {  	_ =	shalt  }
0x65: {  	_ =	shalt  }
0x66: {  	_ =	shalt  }
0x67: {  	_ =	shalt  }
0x68: {  	_ =	shalt  }
0x69: {  	_ =	shalt  }
0x6a: {  	_ =	shalt  }
0x6b: {  	_ =	shalt  }
0x6c: {  	_ =	shalt  }
0x6d: {  	_ =	shalt  }
0x6e: {  	_ =	shalt  }
0x6f: {  	_ =	shalt  }
0x70: {  	_ =	shalt  }
0x71: {  	_ =	shalt  }
0x72: {  	_ =	shalt  }
0x73: {  	_ =	shalt  }
0x74: {  	_ =	shalt  }
0x75: {  	_ =	shalt  }
0x76: {  	_ =	shalt  }
0x77: {  	_ =	shalt  }
0x78: {  	_ =	shalt  }
0x79: {  	_ =	shalt  }
0x7a: {  	_ =	shalt  }
0x7b: {  	_ =	shalt  }
0x7c: {  	_ =	shalt  }
0x7d: {  	_ =	shalt  }
0x7e: {  	_ =	shalt  }
0x7f: {  	_ =	shalt  }
0x80: {  	_ =	shalt  }
0x81: {  	_ =	shalt  }
0x82: {  	_ =	shalt  }
0x83: {  	_ =	shalt  }
0x84: {  	_ =	shalt  }
0x85: {  	_ =	shalt  }
0x86: {  	_ =	shalt  }
0x87: {  	_ =	shalt  }
.Lfunc_end0:
.L_simem_size_0:
called_computation_lowered:
.L_overlay_start_0:
0x88: {  	s2 =	sld [smem:$0x3FD9]  }
0x89: {  	s3 =	sld [smem:$0x3FFE];
	_ =	sdelay $0x1  }
0x8a: {  	s1 =	srdreg.scid  }
0x8b: {  	s0 =	sand.u32 $0x1, s1  }
0x8c: {  	s17 =	sshll.u32 s0, $0xA;
	s2 =	sadd.s32 s3, s2  }
0x8d: {  	s2 =	sadd.s32 s2, s17  }
0x8e: {  	[smem:$0x3FC5] =	sst s2  }
0x8f: {  	_ = 	snop  }
0x90: {  	s2 =	sld [smem:$0x3FD0];
	(tm) =	ssettm $0x1  }
0x91: {  	s18 =	sld [smem:$0x3FFB];
	_ =	sdelay $0x3  }
0x92: {  	_ =	strace s18  }
0x93: {  	s3 =	sld [smem:$0x3FFC];
	_ =	sdelay $0x3  }
0x94: {  	_ =	strace s3  }
0x95: {  	s3 =	sld [smem:$0x3FFD];
	_ =	sdelay $0x3  }
0x96: {  	_ =	strace s3  }
0x97: {  	_ =	strace $0x8FFFFFFF  }
0x98: {  	s19 =	sld [smem:$0x3FDB];
	_ =	sdelay $0x1  }
0x99: {  	s4 =	simm.s32 $_scs_section_size  }
0x9a: {  	s5 =	simm.s32 $_size__tile_overlayer_lowered;
	s6 =	simm.s32 $_tile_overlayer_lowered  }
0x9b: {  	s22 =	simm.s32 $0x1BFF;
	s21 =	sshll.u32 s6, $0x1;
	s3 =	sadd.s32 s4, s19  }
0x9c: {  	s7 =	simm.s32 $0x0;
	s20 =	sshll.u32 s5, $0x1;
	s5 =	sadd.s32 s21, s3  }
0x9d: {  	[timem:s7], [sflag:s22] =	dma.local [hbm:s5], s20  }
0x9e: {  	_ =	swait.ge [sflag:s22], s20  }
0x9f: {  	s4 =	ssub.s32 $0x0, s20;
	[sflag:s22] =	ssyncset.done $0x0  }
0xa0: {  	[sflag:s22] =	ssyncadd.s32 s4;
	_ =	sdelay $0x1  }
0xa1: {  	s23 =	simm.s32 $0x1B8B  }
0xa2: {  	_ =	swait.ge [sflag:s23], $0x1  }
0xa3: {  	[sflag:s23] =	ssyncset.done $0x0  }
0xa4: {  	s25 =	simm.s32 $0x1B8E;
	s24 =	sld [smem:$0x3FFE];
	[sflag:s23] =	ssyncadd.s32 $0xFFFFFFFF  }
0xa5: {  	s26 =	simm.s32 $execute0_lowered;
	[smem:$0x3FD2] =	sst s25  }
0xa6: {  	s5 =	sshll.u32 s26, $0x1;
	_ =	strace $0x80000046;
	[dreg:$0x1] =	wrdreg $0xFFFFFFFF  }
0xa7: {  	s28 =	simm.s32 $_size_execute0_lowered;
	s3 =	sadd.s32 s3, s5;
	[dreg:$0x0] =	wrdreg $0x0  }
0xa8: {  	s5 =	sshll.u32 s28, $0x1;
	[dreg:$0x2] =	wrdreg s3  }
0xa9: {  	[dreg:$0x3] =	wrdreg s5  }
0xaa: {  	[dreg:$0x4] =	wrdreg $0xC0  }
0xab: {  	_ =	task [dreg:s7], $0x5FFFF  }
0xac: {  	[dreg:$0x1] =	wrdreg $0xFFFFFFFF  }
0xad: {  	[dreg:$0x0] =	wrdreg $0x60  }
0xae: {  	[dreg:$0x2] =	wrdreg s24  }
0xaf: {  	[dreg:$0x3] =	wrdreg s2  }
0xb0: {  	[dreg:$0x4] =	wrdreg $0x40800  }
0xb1: {  	[dreg:$0x5] =	wrdreg $0x9  }
0xb2: {  	_ =	task.clear_ibuf [dreg:s7], $0x6FFFF;
	_ =	strace $0x90000046  }
0xb3: {  	s29 =	simm.s32 $0x9;
	_ =	strace $0x80000048  }
0xb4: {  	_ =	swait.ge [sflag:s29], $0x1  }
0xb5: {  	[sflag:s29] =	ssyncadd.s32 $0xFFFFFFFF  }
0xb6: {  	_ =	strace $0x90000048  }
0xb7: {  	_ =	sfence  }
0xb8: {  	s30 =	sld [smem:$0x0];
	_ =	sdelay $0x2  }
0xb9: {  	s31 =	sshll.u32 s1, $0xD;
	s1 =	sshrl.u32 s1, $0x2  }
0xba: {  	s3 =	sand.u32 $0x4000, s31;
	s1 =	sadd.s32 s1, s30  }
0xbb: {  	s0 =	sor.u32 s3, s0;
	s1 =	sshll.u32 s1, $0x11  }
0xbc: {  	s0 =	sor.u32 s1, s0  }
0xbd: {  	s0 =	sadd.s32 $0x8F2B, s0  }
0xbe: {  	[sflag:s0] =	ssyncadd.remote.s32 $0x1  }
0xbf: {  	_ =	sfence.sel $0xFFFF  }
0xc0: {  	[dreg:$0x0] =	wrdreg $0xFFFFFFFF;
	(pc) =	sbr.abs _section_cstart, $3  }
0xc1: {  	[dreg:$0x1] =	wrdreg $0xFFFFFFFF  }
0xc2: {  	_ =	task.clear_ibuf [dreg:s7], $0x2FFFF;
	_ =	strace $0x9FFFFFFF  }
0xc3: {  	(tm) =	ssettm $0x7FFFFFFF  }
tec
execute0_lowered:
.L_overlay_start_1:
0x0: {  	(tag) =	ssettag $0x1  }
0x1: {  	s4 =	rddreg [dreg:$0x0]  }
0x2: {  	s7 =	rddreg [dreg:$0x1]  }
0x3: {  	s2 =	rddreg [dreg:$0x2]  }
0x4: {  	s0 =	rddreg [dreg:$0x3];
	s1 =	stileid.u32  }
0x5: {  	s3 =	simm.s32 $0x0;
	s8 =	srdreg.scid;
	s5 =	smul.u32 $0x500, s1  }
0x6: {  	[smem:$0x7FF] =	sst s3;
	s6 =	smul.u32 $0x13C00, s1  }
0x7: {  	s28 =	sand.u32 $0x1, s8;
	s11 =	smul.u32 $0x4F000, s1;
	s31 =	sshll.u32 s1, $0x6  }
0x8: {  	_ =	strace $0x80000047;
	s10 =	ssub.s32 $0x2, s28;
	s13 =	smul.u32 $0x13C000, s28  }
0x9: {  	s30 =	smul.u32 $0x280, s28;
	s9 =	sadd.s32 s5, s4;
	s29 =	sshrl.u32 s6, $0x3  }
0xa: {  	s12 =	sshrl.u32 s10, $0x1;
	s11 =	sshrl.u32 s11, $0x2;
	s8 =	sadd.s32 s29, s4  }
0xb: {  	s4 =	sadd.s32 $0xB400, s4;
	s10 =	ssub.s32 s10, s12;
	s11 =	sadd.s32 s11, s2  }
0xc: {  	s6 =	sadd.s32 s6, s13;
	s9 =	sadd.s32 s30, s9;
	s12 =	simm.s32 $0x80  }
0xd: {  	s5 =	sadd.s32 $0xBC00, s8;
	s13 =	sshrl.u32 s6, $0x3;
	s6 =	sor.u32 $0x1C01, s31  }
0xe: {  	s8 =	smax.u32 s10, $0x1;
	s9 =	sadd.s32 $0x1400, s9;
	s10 =	sshrl.u32 s11, $0x3  }
0xf: {  	s11 =	simm.s32 $0x1;
	s7 =	sadd.s32 s7, s13;
	s13 =	simm.s32 $0x0  }
.LBB2_1:
0x10: {  	[spmem:s10], [sflag:s6] =	dma.local [hbm:s5], $0x2780  }
0x11: {  	_ =	swait.ge [sflag:s11], $0x2780  }
0x12: {  	[sflag:s11] =	ssyncset.done $0x0  }
0x13: {  	[sflag:s11] =	ssyncadd.s32 $0xFFFFD880  }
0x14: {  	[tilespmem:s12], [sflag:$0x1] =	stream.linear.gather [hbm4b:s4+s3], $0x4000, $0x38;
	[tilespmem:$0x17C80] =	vst v63  }
0x15: {  	_ =	swait.ge [sflag:s11], $0x4000  }
0x16: {  	[sflag:s11] =	ssyncset.done $0x0  }
0x17: {  	[sflag:s11] =	ssyncadd.s32 $0xFFFFC000  }
0x18: {  	s14 =	sadd.s32 $0x0, s9;
	[bflag:$0x0] =	sbarrier.arrive $0xFFFF  }
0x19: {  	[tilespmem:s3], [sflag:$0x1] =	stream.linear.gather [hbm4b:s14+s3], $0x80, $0x38;
	[tilespmem:$0x17C80] =	vst v63  }
0x1a: {  	_ =	swait.ge [sflag:s11], $0x80  }
0x1b: {  	[sflag:s11] =	ssyncset.done $0x0  }
0x1c: {  	[sflag:s11] =	ssyncadd.s32 $0xFFFFFF80  }
0x1d: {  	[spmem:s2] =	stream.indirect.scatter.add.f32 [tilespmem:s12], [sflag:$0x1], $0x80, s3, s12, $0xb8;
	[tilespmem:$0x17C80] =	vst v63  }
0x1e: {  	_ =	swait.ge [sflag:s11], $0x4000  }
0x1f: {  	s15 =	simm.s32 $0x20;
	s14 =	simm.s32 $0x10;
	[sflag:s11] =	ssyncset.done $0x0  }
.LBB2_2:
0x20: {  	s16 =	sadd.s32 s14, s9  }
0x21: {  	[sflag:s11] =	ssyncadd.s32 $0xFFFFC000;
	s14 =	smov.u32 s15;
	s17 =	sadd.s32 $0x10, s15  }
0x22: {  	[tilespmem:s3], [sflag:$0x1] =	stream.linear.gather [hbm4b:s16+s3], $0x80, $0x38;
	[tilespmem:$0x17C80] =	vst v63  }
0x23: {  	p0 =	sne.s32 s15, $0x270;
	_ =	swait.ge [sflag:s11], $0x80  }
.Ltmp0:
0x24: {  	[sflag:s11] =	ssyncset.done $0x0;
	(pc) =	sbr.rel @p0 .LBB2_2-.Ltmp0, $4  }
0x25: {  	[sflag:s11] =	ssyncadd.s32 $0xFFFFFF80  }
0x26: {  	[spmem:s2] =	stream.indirect.scatter.add.f32 [tilespmem:s12], [sflag:$0x1], $0x80, s3, s12, $0xb8;
	[tilespmem:$0x17C80] =	vst v63  }
0x27: {  	_ =	swait.ge [sflag:s11], $0x4000  }
0x28: {  	s15 =	smov.u32 s17;
	[sflag:s11] =	ssyncset.done $0x0  }
0x29: {  	s14 =	sadd.s32 s14, s9;
	[sflag:s11] =	ssyncadd.s32 $0xFFFFC000  }
0x2a: {  	[tilespmem:s3], [sflag:$0x1] =	stream.linear.gather [hbm4b:s14+s3], $0x80, $0x38;
	[tilespmem:$0x17C80] =	vst v63  }
0x2b: {  	_ =	swait.ge [sflag:s11], $0x80  }
0x2c: {  	[sflag:s11] =	ssyncset.done $0x0  }
0x2d: {  	[sflag:s11] =	ssyncadd.s32 $0xFFFFFF80  }
0x2e: {  	[spmem:s2] =	stream.indirect.scatter.add.f32 [tilespmem:s12], [sflag:$0x1], $0x80, s3, s12, $0xb8;
	[tilespmem:$0x17C80] =	vst v63  }
0x2f: {  	_ =	swait.ge [sflag:s11], $0x4000  }
0x30: {  	s13 =	sadd.s32 $0x1, s13;
	[sflag:s11] =	ssyncset.done $0x0  }
0x31: {  	p0 =	sne.s32 s13, s8;
	[sflag:s11] =	ssyncadd.s32 $0xFFFFC000  }
.Ltmp1:
0x32: {  	[bflag:$0x0] =	sbarrier.arrive $0xFFFF;
	(pc) =	sbr.rel @p0 .LBB2_1-.Ltmp1, $4  }
0x33: {  	[hbm:s7], [sflag:s6] =	dma.local [spmem:s10], $0x2780  }
0x34: {  	_ =	swait.ge [sflag:s11], $0x2780  }
0x35: {  	[sflag:s11] =	ssyncset.done $0x0  }
0x36: {  	[sflag:s11] =	ssyncadd.s32 $0xFFFFD880  }
0x37: {  	_ =	sfence.sel $0x180000  }
0x38: {  	[bflag:$0x0] =	sbarrier.arrive $0xFFFF  }
0x39: {  	p0 =	sne.s32 s1, $0x0;
	_ =	strace $0x90000047  }
0x3a: {  	s0 =	sadd.s32 @!p0 $0x100000, s0;
	[bflag:$0x2] =	sbarrier.arrive $0xFFFF  }
0x3b: {  	[sflag:s0] =	ssyncadd.tile.s32 @!p0 $0x1;
	_ =	shalt  }
.Lfunc_end2:
_tile_overlayer_lowered:
.L_overlay_start_2:
0x3c: {  	(tag) =	ssettag $0x2  }
0x3d: {  	s0 =	rddreg [dreg:$0x0];
	s2 =	stileid.u32  }
0x3e: {  	s1 =	rddreg [dreg:$0x1];
	p0 =	sne.s32 s2, $0x0  }
0x3f: {  	s3 =	rddreg [dreg:$0x2];
	[bflag:$0x3] =	sbarrier.arrive $0xFFFF;
	s2 =	simm.s32 @!p0 $0x1C01  }
0x40: {  	[timem:s3], [sflag:s2] =	dma.local @!p0 [hbm:s0], s1  }
0x41: {  	s0 =	simm.s32 @!p0 $0x1  }
0x42: {  	_ =	swait.ge @!p0 [sflag:s0], s1  }
0x43: {  	s1 =	ssub.s32 @!p0 $0x0, s1;
	[sflag:s0] =	ssyncset.done @!p0 $0x0  }
0x44: {  	[sflag:s0] =	ssyncadd.s32 @!p0 s1  }
0x45: {  	[bflag:$0x3] =	sbarrier.arrive $0xFFFF  }
0x46: {  	_ =	shalt  }

// kernel: kernel.9.cloned.1.call-start
scs
__scs_entry_jumppad:
0x0: {  	(pc) =	sbr.rel $0x88, $3  }
0x1: {  	(tag) =	ssettag $0x0;
	lr =	simm.s32 $0x1  }
0x2: {  	[smem:$0x3F9E] =	sst lr;
	_ =	strace $0xD0000000  }
0x3: {  	_ = 	snop  }
0x4: {  	_ = 	snop  }
0x5: {  	_ = 	snop  }
0x6: {  	_ = 	snop  }
0x7: {  	_ = 	snop  }
__scs_overlays_trampoline_lowered:
0x8: {  	[smem:$0x3FAD] =	sst s0  }
0x9: {  	[smem:$0x3FAE] =	sst s1  }
0xa: {  	[smem:$0x3FAF] =	sst s2  }
0xb: {  	[smem:$0x3FB0] =	sst s3  }
0xc: {  	[smem:$0x3FB1] =	sst s4  }
0xd: {  	[smem:$0x3FB2] =	sst s5  }
0xe: {  	[smem:$0x3FB3] =	sst s6  }
0xf: {  	[smem:$0x3FB4] =	sst s7  }
0x10: {  	[smem:$0x3FB5] =	sst s8  }
0x11: {  	[smem:$0x3FB6] =	sst s9;
	s0 =	simm.s32 @!p0 $0x0  }
0x12: {  	s1 =	sld [smem:$0x3F9C];
	s0 =	simm.s32 @p0 $0x1  }
0x13: {  	[smem:$0x3FB7] =	sst s0;
	s0 =	simm.s32 @!p1 $0x0  }
0x14: {  	s2 =	sld [smem:$0x3F9B];
	s0 =	simm.s32 @p1 $0x1  }
0x15: {  	[smem:$0x3FB8] =	sst s0;
	s0 =	simm.s32 @!p2 $0x0  }
0x16: {  	s3 =	sld [smem:$0x3FDB];
	s0 =	simm.s32 @p2 $0x1  }
0x17: {  	s4 =	simm.s32 $0x1BF5;
	[smem:$0x3FBA] =	sst s0  }
0x18: {  	s0 =	sld [smem:$0x3F9D];
	_ =	swait.ge [sflag:s4], $0x0  }
0x19: {  	s7 =	sld [smem:$0x3F9E]  }
0x1a: {  	s8 =	sadd.s32 $0xFFFFE003, lr  }
0x1b: {  	s9 =	sadd.s32 $0xFFFFFEF7, lr;
	s5 =	simm.s32 $0xFFFFFFFF;
	p2 =	slt.u32 s8, $0xFFFFF086  }
0x1c: {  	p1 =	slt.u32 s9, $0xF7A;
	s5 =	simm.s32 @!p2 $0x0  }
0x1d: {  	s5 =	simm.s32 @p1 $0x1;
	p0 =	seq.s32 s7, s2  }
0x1e: {  	s7 =	smul.u32 @!p0 $0xF7A, s2;
	p2 =	seq.s32 @!p0 s5, $0x0  }
0x1f: {  	s9 =	smul.u32 $0xF7A, s1;
	s8 =	simm.s32 @!p0 $0x1BF5;
	p2 =	por !p2, p0  }
0x20: {  	[sflag:s8] =	ssyncset.s32 @!p0 $0xFFFFF086;
	s6 =	sadd.s32 @!p0 s3, s7;
	s7 =	simm.s32 @!p0 $0x108  }
0x21: {  	s3 =	sadd.s32 s3, s9;
	s6 =	sadd.s32 @!p0 $0x88, s6;
	s7 =	simm.s32 @p2 $0x1082  }
0x22: {  	[simem:s7], [sflag:s8] =	dma.local @!p0 [hbm:s6], $0xF7A  }
0x23: {  	s9 =	sor.u32 $0xD0000000, s2;
	s6 =	simm.s32 $0x108;
	_ =	swait.ge @!p0 [sflag:s8], $0x0  }
0x24: {  	s3 =	sadd.s32 $0x88, s3;
	s6 =	simm.s32 @!p1 $0x1082;
	[sflag:s4] =	ssyncset.s32 $0xFFFFF086  }
0x25: {  	[simem:s6], [sflag:s4] =	dma.local [hbm:s3], $0xF7A  }
0x26: {  	[smem:$0x3F9E] =	sst s1;
	(tag) =	ssettag s2;
	_ =	strace s9  }
0x27: {  	s1 =	sld [smem:$0x3FAE]  }
0x28: {  	s2 =	sld [smem:$0x3FAF]  }
0x29: {  	s4 =	sld [smem:$0x3FB1]  }
0x2a: {  	p0 =	seq.s32 s5, $0x0;
	s5 =	sld [smem:$0x3FB2]  }
0x2b: {  	s6 =	sld [smem:$0x3FB3]  }
0x2c: {  	s7 =	sld [smem:$0x3FB4]  }
0x2d: {  	s3 =	simm.s32 $0x108;
	s8 =	sld [smem:$0x3FB5]  }
0x2e: {  	s3 =	simm.s32 @!p0 $0x1082;
	s9 =	sld [smem:$0x3FB6]  }
0x2f: {  	lr =	sadd.s32 s0, s3;
	s0 =	sld [smem:$0x3FAD]  }
0x30: {  	s3 =	sld [smem:$0x3FB0]  }
0x31: {  	[smem:$0x3FB9] =	sst s10  }
0x32: {  	s10 =	sld [smem:$0x3FB7];
	_ =	sdelay $0x3  }
0x33: {  	p0 =	seq.s32 s10, $0x1;
	s10 =	sld [smem:$0x3FB9];
	_ =	sdelay $0x3  }
0x34: {  	[smem:$0x3FB9] =	sst s10  }
0x35: {  	s10 =	sld [smem:$0x3FB8];
	_ =	sdelay $0x3  }
0x36: {  	p1 =	seq.s32 s10, $0x1;
	s10 =	sld [smem:$0x3FB9];
	_ =	sdelay $0x3  }
0x37: {  	[smem:$0x3FB9] =	sst s10  }
0x38: {  	s10 =	sld [smem:$0x3FBA]  }
0x39: {  	_ = 	snop;
	(pc) =	sbr.ind lr, $3  }
0x3a: {  	_ = 	snop  }
0x3b: {  	_ = 	snop  }
0x3c: {  	p2 =	seq.s32 s10, $0x1;
	s10 =	sld [smem:$0x3FB9]  }
0x3d: {  	_ =	shalt  }
0x3e: {  	_ =	shalt  }
0x3f: {  	_ =	shalt  }
0x40: {  	_ =	shalt  }
0x41: {  	_ =	shalt  }
0x42: {  	_ =	shalt  }
0x43: {  	_ =	shalt  }
0x44: {  	_ =	shalt  }
0x45: {  	_ =	shalt  }
0x46: {  	_ =	shalt  }
0x47: {  	_ =	shalt  }
0x48: {  	_ =	shalt  }
0x49: {  	_ =	shalt  }
0x4a: {  	_ =	shalt  }
0x4b: {  	_ =	shalt  }
0x4c: {  	_ =	shalt  }
0x4d: {  	_ =	shalt  }
0x4e: {  	_ =	shalt  }
0x4f: {  	_ =	shalt  }
0x50: {  	_ =	shalt  }
0x51: {  	_ =	shalt  }
0x52: {  	_ =	shalt  }
0x53: {  	_ =	shalt  }
0x54: {  	_ =	shalt  }
0x55: {  	_ =	shalt  }
0x56: {  	_ =	shalt  }
0x57: {  	_ =	shalt  }
0x58: {  	_ =	shalt  }
0x59: {  	_ =	shalt  }
0x5a: {  	_ =	shalt  }
0x5b: {  	_ =	shalt  }
0x5c: {  	_ =	shalt  }
0x5d: {  	_ =	shalt  }
0x5e: {  	_ =	shalt  }
0x5f: {  	_ =	shalt  }
0x60: {  	_ =	shalt  }
0x61: {  	_ =	shalt  }
0x62: {  	_ =	shalt  }
0x63: {  	_ =	shalt  }
0x64: {  	_ =	shalt  }
0x65: {  	_ =	shalt  }
0x66: {  	_ =	shalt  }
0x67: {  	_ =	shalt  }
0x68: {  	_ =	shalt  }
0x69: {  	_ =	shalt  }
0x6a: {  	_ =	shalt  }
0x6b: {  	_ =	shalt  }
0x6c: {  	_ =	shalt  }
0x6d: {  	_ =	shalt  }
0x6e: {  	_ =	shalt  }
0x6f: {  	_ =	shalt  }
0x70: {  	_ =	shalt  }
0x71: {  	_ =	shalt  }
0x72: {  	_ =	shalt  }
0x73: {  	_ =	shalt  }
0x74: {  	_ =	shalt  }
0x75: {  	_ =	shalt  }
0x76: {  	_ =	shalt  }
0x77: {  	_ =	shalt  }
0x78: {  	_ =	shalt  }
0x79: {  	_ =	shalt  }
0x7a: {  	_ =	shalt  }
0x7b: {  	_ =	shalt  }
0x7c: {  	_ =	shalt  }
0x7d: {  	_ =	shalt  }
0x7e: {  	_ =	shalt  }
0x7f: {  	_ =	shalt  }
0x80: {  	_ =	shalt  }
0x81: {  	_ =	shalt  }
0x82: {  	_ =	shalt  }
0x83: {  	_ =	shalt  }
0x84: {  	_ =	shalt  }
0x85: {  	_ =	shalt  }
0x86: {  	_ =	shalt  }
0x87: {  	_ =	shalt  }
.Lfunc_end0:
.L_simem_size_0:
called_computation.1_lowered:
.L_overlay_start_0:
0x88: {  	s2 =	sld [smem:$0x3FD9]  }
0x89: {  	s3 =	sld [smem:$0x3FFE];
	_ =	sdelay $0x1  }
0x8a: {  	s1 =	srdreg.scid  }
0x8b: {  	s0 =	sand.u32 $0x1, s1  }
0x8c: {  	s17 =	sshll.u32 s0, $0xA;
	s2 =	sadd.s32 s3, s2  }
0x8d: {  	s2 =	sadd.s32 s2, s17  }
0x8e: {  	[smem:$0x3FC5] =	sst s2  }
0x8f: {  	_ = 	snop  }
0x90: {  	s2 =	sld [smem:$0x3FD0];
	(tm) =	ssettm $0x1  }
0x91: {  	s18 =	sld [smem:$0x3FFB];
	_ =	sdelay $0x3  }
0x92: {  	_ =	strace s18  }
0x93: {  	s3 =	sld [smem:$0x3FFC];
	_ =	sdelay $0x3  }
0x94: {  	_ =	strace s3  }
0x95: {  	s3 =	sld [smem:$0x3FFD];
	_ =	sdelay $0x3  }
0x96: {  	_ =	strace s3  }
0x97: {  	_ =	strace $0x8FFFFFFF  }
0x98: {  	s19 =	sld [smem:$0x3FDB];
	_ =	sdelay $0x1  }
0x99: {  	s4 =	simm.s32 $_scs_section_size  }
0x9a: {  	s5 =	simm.s32 $_size__tile_overlayer_lowered;
	s6 =	simm.s32 $_tile_overlayer_lowered  }
0x9b: {  	s22 =	simm.s32 $0x1BFF;
	s21 =	sshll.u32 s6, $0x1;
	s3 =	sadd.s32 s4, s19  }
0x9c: {  	s7 =	simm.s32 $0x0;
	s20 =	sshll.u32 s5, $0x1;
	s5 =	sadd.s32 s21, s3  }
0x9d: {  	[timem:s7], [sflag:s22] =	dma.local [hbm:s5], s20  }
0x9e: {  	_ =	swait.ge [sflag:s22], s20  }
0x9f: {  	s4 =	ssub.s32 $0x0, s20;
	[sflag:s22] =	ssyncset.done $0x0  }
0xa0: {  	[sflag:s22] =	ssyncadd.s32 s4;
	_ =	sdelay $0x1  }
0xa1: {  	s23 =	simm.s32 $0x1B8B  }
0xa2: {  	_ =	swait.ge [sflag:s23], $0x1  }
0xa3: {  	[sflag:s23] =	ssyncset.done $0x0  }
0xa4: {  	s25 =	simm.s32 $0x1B8E;
	s24 =	sld [smem:$0x3FFE];
	[sflag:s23] =	ssyncadd.s32 $0xFFFFFFFF  }
0xa5: {  	s26 =	simm.s32 $execute0_lowered;
	[smem:$0x3FD2] =	sst s25  }
0xa6: {  	s5 =	sshll.u32 s26, $0x1;
	_ =	strace $0x80000049;
	[dreg:$0x1] =	wrdreg $0xFFFFFFFF  }
0xa7: {  	s28 =	simm.s32 $_size_execute0_lowered;
	s3 =	sadd.s32 s3, s5;
	[dreg:$0x0] =	wrdreg $0x0  }
0xa8: {  	s5 =	sshll.u32 s28, $0x1;
	[dreg:$0x2] =	wrdreg s3  }
0xa9: {  	[dreg:$0x3] =	wrdreg s5  }
0xaa: {  	[dreg:$0x4] =	wrdreg $0xC0  }
0xab: {  	_ =	task [dreg:s7], $0x5FFFF  }
0xac: {  	[dreg:$0x1] =	wrdreg $0xFFFFFFFF  }
0xad: {  	[dreg:$0x0] =	wrdreg $0x60  }
0xae: {  	[dreg:$0x2] =	wrdreg s24  }
0xaf: {  	[dreg:$0x3] =	wrdreg s2  }
0xb0: {  	[dreg:$0x4] =	wrdreg $0x41000  }
0xb1: {  	[dreg:$0x5] =	wrdreg $0x9  }
0xb2: {  	_ =	task.clear_ibuf [dreg:s7], $0x6FFFF;
	_ =	strace $0x90000049  }
0xb3: {  	s29 =	simm.s32 $0x9;
	_ =	strace $0x8000004B  }
0xb4: {  	_ =	swait.ge [sflag:s29], $0x1  }
0xb5: {  	[sflag:s29] =	ssyncadd.s32 $0xFFFFFFFF  }
0xb6: {  	_ =	strace $0x9000004B  }
0xb7: {  	_ =	sfence  }
0xb8: {  	s30 =	sld [smem:$0x0];
	_ =	sdelay $0x2  }
0xb9: {  	s31 =	sshll.u32 s1, $0xD;
	s1 =	sshrl.u32 s1, $0x2  }
0xba: {  	s3 =	sand.u32 $0x4000, s31;
	s1 =	sadd.s32 s1, s30  }
0xbb: {  	s0 =	sor.u32 s3, s0;
	s1 =	sshll.u32 s1, $0x11  }
0xbc: {  	s0 =	sor.u32 s1, s0  }
0xbd: {  	s0 =	sadd.s32 $0x8F2B, s0  }
0xbe: {  	[sflag:s0] =	ssyncadd.remote.s32 $0x1  }
0xbf: {  	_ =	sfence.sel $0xFFFF  }
0xc0: {  	[dreg:$0x0] =	wrdreg $0xFFFFFFFF;
	(pc) =	sbr.abs _section_cstart, $3  }
0xc1: {  	[dreg:$0x1] =	wrdreg $0xFFFFFFFF  }
0xc2: {  	_ =	task.clear_ibuf [dreg:s7], $0x2FFFF;
	_ =	strace $0x9FFFFFFF  }
0xc3: {  	(tm) =	ssettm $0x7FFFFFFF  }
tec
execute0_lowered:
.L_overlay_start_1:
0x0: {  	(tag) =	ssettag $0x1  }
0x1: {  	s5 =	rddreg [dreg:$0x0]  }
0x2: {  	s7 =	rddreg [dreg:$0x1]  }
0x3: {  	s2 =	rddreg [dreg:$0x2];
	s1 =	stileid.u32  }
0x4: {  	s0 =	rddreg [dreg:$0x3];
	s3 =	simm.s32 $0x0;
	s4 =	smul.u32 $0x500, s1  }
0x5: {  	s6 =	srdreg.scid;
	s15 =	simm.s32 $0x1;
	s9 =	smul.u32 $0x13C00, s1  }
0x6: {  	s16 =	simm.s32 $0x0;
	s6 =	sand.u32 $0x1, s6;
	s11 =	smul.u32 $0x4F000, s1  }
0x7: {  	[smem:$0x7FF] =	sst s3;
	s31 =	sshll.u32 s1, $0x6;
	s14 =	smul.u32 $0x13C000, s6  }
0x8: {  	_ =	strace $0x8000004A;
	s10 =	ssub.s32 $0x2, s6;
	s30 =	smul.u32 $0x280, s6  }
0x9: {  	s6 =	sor.u32 $0x1C02, s31;
	s8 =	sadd.s32 s4, s5;
	s4 =	sadd.s32 $0x33400, s5  }
0xa: {  	s12 =	sshrl.u32 s9, $0x3;
	s13 =	sshrl.u32 s10, $0x1;
	s11 =	sshrl.u32 s11, $0x2  }
0xb: {  	s5 =	sadd.s32 s12, s5;
	s10 =	ssub.s32 s10, s13;
	s11 =	sadd.s32 s11, s2  }
0xc: {  	s9 =	sadd.s32 s9, s14;
	s12 =	sadd.s32 s30, s8;
	s13 =	simm.s32 $0x80  }
0xd: {  	s14 =	simm.s32 $0x100;
	s5 =	sadd.s32 $0xBC00, s5;
	s9 =	sshrl.u32 s9, $0x3  }
0xe: {  	s8 =	smax.u32 s10, $0x1;
	s10 =	sadd.s32 $0x1400, s12;
	s11 =	sshrl.u32 s11, $0x3  }
0xf: {  	s7 =	sadd.s32 s7, s9;
	s9 =	sadd.s32 $0x6400, s12;
	s12 =	simm.s32 $0x2  }
.LBB2_1:
0x10: {  	[spmem:s11], [sflag:s6] =	dma.local [hbm:s5], $0x2780  }
0x11: {  	_ =	swait.ge [sflag:s12], $0x2780  }
0x12: {  	[sflag:s12] =	ssyncset.done $0x0  }
0x13: {  	[sflag:s12] =	ssyncadd.s32 $0xFFFFD880  }
0x14: {  	s17 =	sadd.s32 $0x0, s10;
	[bflag:$0x0] =	sbarrier.arrive $0xFFFF  }
0x15: {  	[tilespmem:s13], [sflag:$0x2] =	stream.linear.gather [hbm4b:s17+s3], $0x80, $0x38;
	[tilespmem:$0x17D00] =	vst v63  }
0x16: {  	_ =	swait.ge [sflag:s12], $0x80  }
0x17: {  	[sflag:s12] =	ssyncset.done $0x0  }
0x18: {  	s31 =	sadd.s32 $0x0, s9;
	[sflag:s12] =	ssyncadd.s32 $0xFFFFFF80  }
0x19: {  	[tilespmem:s3], [sflag:$0x2] =	stream.linear.gather [hbm4b:s31+s3], $0x80, $0x38;
	[tilespmem:$0x17D00] =	vst v63  }
0x1a: {  	_ =	swait.ge [sflag:s12], $0x80  }
0x1b: {  	[sflag:s12] =	ssyncset.done $0x0  }
0x1c: {  	[sflag:s12] =	ssyncadd.s32 $0xFFFFFF80  }
0x1d: {  	[tilespmem:s14], [sflag:$0x1] =	stream.indirect.gather [hbm4b:s4+s13], $0x80, s3, s13, $0xb8;
	[tilespmem:$0x17D00] =	vst v63  }
0x1e: {  	_ =	swait.ge [sflag:s15], $0x4000  }
0x1f: {  	[sflag:s15] =	ssyncset.done $0x0  }
0x20: {  	[sflag:s15] =	ssyncadd.s32 $0xFFFFC000  }
0x21: {  	[spmem:s2] =	stream.indirect.scatter.add.f32 [tilespmem:s14], [sflag:$0x2], $0x80, s13, s13, $0xb8;
	[tilespmem:$0x17D00] =	vst v63  }
0x22: {  	_ =	swait.ge [sflag:s12], $0x4000  }
0x23: {  	s18 =	simm.s32 $0x20;
	s17 =	simm.s32 $0x10;
	[sflag:s12] =	ssyncset.done $0x0  }
.LBB2_2:
0x24: {  	s19 =	sadd.s32 s17, s10  }
0x25: {  	[sflag:s12] =	ssyncadd.s32 $0xFFFFC000;
	s20 =	smov.u32 s18;
	s21 =	sadd.s32 $0x10, s18  }
0x26: {  	[tilespmem:s13], [sflag:$0x2] =	stream.linear.gather [hbm4b:s19+s3], $0x80, $0x38;
	[tilespmem:$0x17D00] =	vst v63  }
0x27: {  	p0 =	sne.s32 s18, $0x270;
	_ =	swait.ge [sflag:s12], $0x80  }
0x28: {  	[sflag:s12] =	ssyncset.done $0x0  }
0x29: {  	s18 =	sadd.s32 s17, s9;
	s17 =	smov.u32 s20;
	[sflag:s12] =	ssyncadd.s32 $0xFFFFFF80  }
0x2a: {  	[tilespmem:s3], [sflag:$0x2] =	stream.linear.gather [hbm4b:s18+s3], $0x80, $0x38;
	[tilespmem:$0x17D00] =	vst v63  }
0x2b: {  	_ =	swait.ge [sflag:s12], $0x80  }
0x2c: {  	[sflag:s12] =	ssyncset.done $0x0  }
0x2d: {  	[sflag:s12] =	ssyncadd.s32 $0xFFFFFF80  }
0x2e: {  	[tilespmem:s14], [sflag:$0x1] =	stream.indirect.gather [hbm4b:s4+s13], $0x80, s3, s13, $0xb8;
	[tilespmem:$0x17D00] =	vst v63  }
0x2f: {  	_ =	swait.ge [sflag:s15], $0x4000  }
.Ltmp0:
0x30: {  	[sflag:s15] =	ssyncset.done $0x0;
	(pc) =	sbr.rel @p0 .LBB2_2-.Ltmp0, $4  }
0x31: {  	[sflag:s15] =	ssyncadd.s32 $0xFFFFC000  }
0x32: {  	[spmem:s2] =	stream.indirect.scatter.add.f32 [tilespmem:s14], [sflag:$0x2], $0x80, s13, s13, $0xb8;
	[tilespmem:$0x17D00] =	vst v63  }
0x33: {  	_ =	swait.ge [sflag:s12], $0x4000  }
0x34: {  	s18 =	smov.u32 s21;
	[sflag:s12] =	ssyncset.done $0x0  }
0x35: {  	s18 =	sadd.s32 s17, s10;
	[sflag:s12] =	ssyncadd.s32 $0xFFFFC000  }
0x36: {  	[tilespmem:s13], [sflag:$0x2] =	stream.linear.gather [hbm4b:s18+s3], $0x80, $0x38;
	[tilespmem:$0x17D00] =	vst v63  }
0x37: {  	_ =	swait.ge [sflag:s12], $0x80  }
0x38: {  	[sflag:s12] =	ssyncset.done $0x0  }
0x39: {  	s31 =	sadd.s32 s17, s9;
	[sflag:s12] =	ssyncadd.s32 $0xFFFFFF80  }
0x3a: {  	[tilespmem:s3], [sflag:$0x2] =	stream.linear.gather [hbm4b:s31+s3], $0x80, $0x38;
	[tilespmem:$0x17D00] =	vst v63  }
0x3b: {  	_ =	swait.ge [sflag:s12], $0x80  }
0x3c: {  	[sflag:s12] =	ssyncset.done $0x0  }
0x3d: {  	[sflag:s12] =	ssyncadd.s32 $0xFFFFFF80  }
0x3e: {  	[tilespmem:s14], [sflag:$0x1] =	stream.indirect.gather [hbm4b:s4+s13], $0x80, s3, s13, $0xb8;
	[tilespmem:$0x17D00] =	vst v63  }
0x3f: {  	_ =	swait.ge [sflag:s15], $0x4000  }
0x40: {  	[sflag:s15] =	ssyncset.done $0x0  }
0x41: {  	[sflag:s15] =	ssyncadd.s32 $0xFFFFC000  }
0x42: {  	[spmem:s2] =	stream.indirect.scatter.add.f32 [tilespmem:s14], [sflag:$0x2], $0x80, s13, s13, $0xb8;
	[tilespmem:$0x17D00] =	vst v63  }
0x43: {  	_ =	swait.ge [sflag:s12], $0x4000  }
0x44: {  	s16 =	sadd.s32 $0x1, s16;
	[sflag:s12] =	ssyncset.done $0x0  }
0x45: {  	p0 =	sne.s32 s16, s8;
	[sflag:s12] =	ssyncadd.s32 $0xFFFFC000  }
.Ltmp1:
0x46: {  	[bflag:$0x0] =	sbarrier.arrive $0xFFFF;
	(pc) =	sbr.rel @p0 .LBB2_1-.Ltmp1, $4  }
0x47: {  	[hbm:s7], [sflag:s6] =	dma.local [spmem:s11], $0x2780  }
0x48: {  	_ =	swait.ge [sflag:s12], $0x2780  }
0x49: {  	[sflag:s12] =	ssyncset.done $0x0  }
0x4a: {  	[sflag:s12] =	ssyncadd.s32 $0xFFFFD880  }
0x4b: {  	_ =	sfence.sel $0x180000  }
0x4c: {  	[bflag:$0x0] =	sbarrier.arrive $0xFFFF  }
0x4d: {  	p0 =	sne.s32 s1, $0x0;
	_ =	strace $0x9000004A  }
0x4e: {  	s0 =	sadd.s32 @!p0 $0x100000, s0;
	[bflag:$0x2] =	sbarrier.arrive $0xFFFF  }
0x4f: {  	[sflag:s0] =	ssyncadd.tile.s32 @!p0 $0x1;
	_ =	shalt  }
.Lfunc_end2:
_tile_overlayer_lowered:
.L_overlay_start_2:
0x50: {  	(tag) =	ssettag $0x2  }
0x51: {  	s0 =	rddreg [dreg:$0x0];
	s2 =	stileid.u32  }
0x52: {  	s1 =	rddreg [dreg:$0x1];
	p0 =	sne.s32 s2, $0x0  }
0x53: {  	s3 =	rddreg [dreg:$0x2];
	[bflag:$0x3] =	sbarrier.arrive $0xFFFF;
	s2 =	simm.s32 @!p0 $0x1C02  }
0x54: {  	[timem:s3], [sflag:s2] =	dma.local @!p0 [hbm:s0], s1  }
0x55: {  	s0 =	simm.s32 @!p0 $0x2  }
0x56: {  	_ =	swait.ge @!p0 [sflag:s0], s1  }
0x57: {  	s1 =	ssub.s32 @!p0 $0x0, s1;
	[sflag:s0] =	ssyncset.done @!p0 $0x0  }
0x58: {  	[sflag:s0] =	ssyncadd.s32 @!p0 s1  }
0x59: {  	[bflag:$0x3] =	sbarrier.arrive $0xFFFF  }
0x5a: {  	_ =	shalt  }

</sc_bundles>
